<compile_context>
chip_gen: v7x
topology: tpu7x:2x2x1
jax: 0.10.2.dev20260603
libtpu: 0.0.44.dev20260713+nightly
codegen_flags: <defaults>
</compile_context>

<pallas_src>
import functools

import jax
import jax.numpy as jnp
from jax import lax
from jax.experimental import pallas as pl
from jax.experimental.pallas import tpu as pltpu
from jax.experimental.pallas import tpu_sc as plsc

N_NODES = 10000
N_EDGES = 320000
D_FEAT = 128

NC = 2
NS = 16
NW = NC * NS
L = 16

D_AUG = D_FEAT + L
CHUNK = 128
CH_W0 = 160
NCH_TOT = NS * CH_W0
E_PAD = NCH_TOT * CHUNK
N_PAD = 10240
ROWS_PER_TILE = N_PAD // NS


def _sc_scatter(x_aug, idx_pack):
    mesh = plsc.VectorSubcoreMesh(core_axis_name="c", subcore_axis_name="s")

    @functools.partial(
        pl.kernel,
        mesh=mesh,
        compiler_params=pltpu.CompilerParams(use_tc_tiling_on_sc=False),
        out_type=jax.ShapeDtypeStruct((N_PAD, D_AUG), jnp.float32),
        scratch_types=[
            pltpu.VMEM_SHARED((N_PAD, D_AUG), jnp.float32),
            pltpu.VMEM((2, CHUNK), jnp.int32),
            pltpu.VMEM((2, CHUNK), jnp.int32),
            pltpu.VMEM((CHUNK, D_AUG), jnp.float32),
            pltpu.VMEM((CHUNK, D_AUG), jnp.float32),
            pltpu.VMEM((8, D_AUG), jnp.float32),
            pltpu.SemaphoreType.DMA,
            pltpu.SemaphoreType.DMA,
        ],
    )
    def k(x_hbm, pack_hbm, acc_out,
          acc_sp, idx0, idx1, msgs0, msgs1, zblk, sem0, sem1):
        cid = lax.axis_index("c")
        sid = lax.axis_index("s")

        @pl.when(cid == 0)
        def _core0():
            zero = jnp.zeros((L,), jnp.float32)
            for r in range(8):
                for cc in range(D_AUG // L):
                    zblk[r, pl.ds(cc * L, L)] = zero

            tbase = sid * ROWS_PER_TILE

            def zero_body(j, _):
                pltpu.sync_copy(zblk, acc_sp.at[pl.ds(tbase + j * 8, 8)])
                return _

            lax.fori_loop(0, ROWS_PER_TILE // 8, zero_body, None)
            plsc.subcore_barrier()

            kbase = sid * CH_W0

            pltpu.sync_copy(pack_hbm.at[pl.ds(2 * kbase, 2)], idx0)
            pltpu.async_copy(x_hbm.at[idx0.at[0]], msgs0, sem0)

            def pipe_body(g, _):
                k1 = kbase + 2 * g + 1
                pltpu.sync_copy(pack_hbm.at[pl.ds(2 * k1, 2)], idx1)
                pltpu.async_copy(x_hbm.at[idx1.at[0]], msgs1, sem1)
                pltpu.make_async_copy(x_hbm.at[idx0.at[0]], msgs0,
                                      sem0).wait()
                pltpu.sync_copy(msgs0, acc_sp.at[idx0.at[1]], add=True)

                @pl.when(g + 1 < CH_W0 // 2)
                def _prefetch():
                    k2 = k1 + 1
                    pltpu.sync_copy(pack_hbm.at[pl.ds(2 * k2, 2)], idx0)
                    pltpu.async_copy(x_hbm.at[idx0.at[0]], msgs0, sem0)

                pltpu.make_async_copy(x_hbm.at[idx1.at[0]], msgs1,
                                      sem1).wait()
                pltpu.sync_copy(msgs1, acc_sp.at[idx1.at[1]], add=True)
                return _

            lax.fori_loop(0, CH_W0 // 2, pipe_body, None)
            plsc.subcore_barrier()

            pltpu.sync_copy(acc_sp.at[pl.ds(tbase, ROWS_PER_TILE)],
                            acc_out.at[pl.ds(tbase, ROWS_PER_TILE)])

    return k(x_aug, idx_pack)


def _combine_body(acc_ref, out_ref):
    s = acc_ref[:N_NODES, :]
    out_ref[...] = s[:, :D_FEAT] / jnp.maximum(s[:, D_FEAT:D_FEAT + 1], 1.0)


def kernel(x, edge_index):
    row = edge_index[0]
    col = edge_index[1]
    pad = E_PAD - N_EDGES
    row_pad = jnp.concatenate([row, jnp.zeros((pad,), jnp.int32)])
    dummy = N_NODES + (jnp.arange(pad, dtype=jnp.int32) % (N_PAD - N_NODES))
    col_pad = jnp.concatenate([col, dummy])
    idx_pack = jnp.stack(
        [row_pad.reshape(NCH_TOT, CHUNK), col_pad.reshape(NCH_TOT, CHUNK)],
        axis=1).reshape(2 * NCH_TOT, CHUNK)
    ones_col = jnp.zeros((N_NODES, L), jnp.float32).at[:, 0].set(1.0)
    x_aug = jnp.concatenate([x, ones_col], axis=1)

    acc = _sc_scatter(x_aug, idx_pack)

    out = pl.pallas_call(
        _combine_body,
        out_shape=jax.ShapeDtypeStruct((N_NODES, D_FEAT), jnp.float32),
    )(acc)
    return out

# --- scband reference (transcript-rebuilt; emitter-appended) ---
"""Pipeline reference for scband-cu-graph-module-57964878626870 (READ-ONLY COPY).

The authoritative reference and input builder live on the scoring server;
editing this copy changes nothing except your own understanding.
"""

import jax, jax.numpy as jnp
import numpy as np

N_NODES = 10000
N_EDGES = 320000
D_FEAT = 128


def setup_inputs(seed: int = 0) -> dict:
    key = jax.random.key(seed)
    k1, k2 = jax.random.split(key)
    x = jax.random.normal(k1, (N_NODES, D_FEAT), dtype=jnp.float32)
    edge_index = jax.random.randint(k2, (2, N_EDGES), 0, N_NODES, dtype=jnp.int32)
    return {"x": x, "edge_index": edge_index}


def reference(x, edge_index):
    # CuGraphModule.to_csc: sort edges by destination (col) to produce CSC order.
    row, col = edge_index[0], edge_index[1]
    num_nodes = x.shape[0]
    perm = jnp.argsort(col)
    row_s = row[perm]
    col_s = col[perm]
    # Canonical message-passing forward over the CSC graph (mean aggregation,
    # as done by concrete CuGraph layers such as CuGraphSAGEConv):
    # gather source features per edge, scatter-add into destination nodes,
    # normalize by in-degree.
    msgs = jnp.take(x, row_s, axis=0)
    agg = jax.ops.segment_sum(msgs, col_s, num_segments=num_nodes)
    deg = jax.ops.segment_sum(jnp.ones((row_s.shape[0],), dtype=x.dtype), col_s, num_segments=num_nodes)
    out = agg / jnp.clip(deg[:, None], 1.0, None)
    return out

if __name__ == "__main__":
    import jax
    _d = setup_inputs()
    print(jax.jit(kernel)(*tuple(_d.values())))

</pallas_src>

<mosaic_0001>
#map = affine_map<(d0, d1) -> (0, 0)>
module attributes {stable_mosaic.version = 14 : i64} {
  func.func @k(%arg0: i32, %arg1: i32, %arg2: memref<10000x144xf32, #tpu.memory_space<hbm>>, %arg3: memref<5120x128xi32, #tpu.memory_space<hbm>>, %arg4: memref<10240x144xf32, #tpu.memory_space<hbm>>, %arg5: memref<10240x144xf32, #tpu.memory_space<vmem_shared>>, %arg6: memref<2x128xi32, #tpu.memory_space<vmem>>, %arg7: memref<2x128xi32, #tpu.memory_space<vmem>>, %arg8: memref<128x144xf32, #tpu.memory_space<vmem>>, %arg9: memref<128x144xf32, #tpu.memory_space<vmem>>, %arg10: memref<8x144xf32, #tpu.memory_space<vmem>>, %arg11: memref<!tpu.dma_semaphore, #tpu.memory_space<semaphore_mem>>, %arg12: memref<!tpu.dma_semaphore, #tpu.memory_space<semaphore_mem>>) attributes {dimension_semantics = [#tpu.dimension_semantics<core_parallel>, #tpu.dimension_semantics<subcore_parallel>], iteration_bounds = array<i64: 2, 16>, scalar_prefetch = 0 : i64, scratch_operands = 8 : i64, tpu.core_type = #tpu.core_type<sc_vector_subcore>, window_params = [{transform_indices = #map}, {transform_indices = #map}, {transform_indices = #map}]} {
    %eq3A = arith.constant 0 : i32
    %eq3A_0 = arith.cmpi eq, %arg0, %eq3A : i32
    %convert_element_type3A = arith.extui %eq3A_0 : i1 to i32
    %cond3A = arith.constant 0 : i32
    %cond3A_1 = arith.cmpi ne, %convert_element_type3A, %cond3A : i32
    scf.if %cond3A_1 {
      %broadcast_in_dim3A = arith.constant 0.000000e+00 : f32
      %broadcast_in_dim3A_2 = vector.broadcast %broadcast_in_dim3A : f32 to vector<16xf32>
      %swap3A = arith.constant 0 : i32
      %swap3A_3 = arith.index_cast %swap3A : i32 to index
      %swap3A_4 = arith.constant 0 : index
      %swap3A_5 = tpu.vector_load %arg10[%swap3A_3, %swap3A_4] {strides = array<i32>} : memref<8x144xf32, #tpu.memory_space<vmem>>, vector<1x16xf32>,
      %swap3A_6 = vector.shape_cast %swap3A_5 : vector<1x16xf32> to vector<16xf32>
      %swap3A_7 = vector.shape_cast %broadcast_in_dim3A_2 : vector<16xf32> to vector<1x16xf32>
      tpu.vector_store %arg10[%swap3A_3, %swap3A_4], %swap3A_7 {strides = array<i32>} : memref<8x144xf32, #tpu.memory_space<vmem>>, vector<1x16xf32>,
      %swap3A_8 = arith.constant 0 : i32
      %swap3A_9 = arith.index_cast %swap3A_8 : i32 to index
      %swap3A_10 = arith.constant 16 : index
      %swap3A_11 = tpu.vector_load %arg10[%swap3A_9, %swap3A_10] {strides = array<i32>} : memref<8x144xf32, #tpu.memory_space<vmem>>, vector<1x16xf32>,
      %swap3A_12 = vector.shape_cast %swap3A_11 : vector<1x16xf32> to vector<16xf32>
      %swap3A_13 = vector.shape_cast %broadcast_in_dim3A_2 : vector<16xf32> to vector<1x16xf32>
      tpu.vector_store %arg10[%swap3A_9, %swap3A_10], %swap3A_13 {strides = array<i32>} : memref<8x144xf32, #tpu.memory_space<vmem>>, vector<1x16xf32>,
      %swap3A_14 = arith.constant 0 : i32
      %swap3A_15 = arith.index_cast %swap3A_14 : i32 to index
      %swap3A_16 = arith.constant 32 : index
      %swap3A_17 = tpu.vector_load %arg10[%swap3A_15, %swap3A_16] {strides = array<i32>} : memref<8x144xf32, #tpu.memory_space<vmem>>, vector<1x16xf32>,
      %swap3A_18 = vector.shape_cast %swap3A_17 : vector<1x16xf32> to vector<16xf32>
      %swap3A_19 = vector.shape_cast %broadcast_in_dim3A_2 : vector<16xf32> to vector<1x16xf32>
      tpu.vector_store %arg10[%swap3A_15, %swap3A_16], %swap3A_19 {strides = array<i32>} : memref<8x144xf32, #tpu.memory_space<vmem>>, vector<1x16xf32>,
      %swap3A_20 = arith.constant 0 : i32
      %swap3A_21 = arith.index_cast %swap3A_20 : i32 to index
      %swap3A_22 = arith.constant 48 : index
      %swap3A_23 = tpu.vector_load %arg10[%swap3A_21, %swap3A_22] {strides = array<i32>} : memref<8x144xf32, #tpu.memory_space<vmem>>, vector<1x16xf32>,
      %swap3A_24 = vector.shape_cast %swap3A_23 : vector<1x16xf32> to vector<16xf32>
      %swap3A_25 = vector.shape_cast %broadcast_in_dim3A_2 : vector<16xf32> to vector<1x16xf32>
      tpu.vector_store %arg10[%swap3A_21, %swap3A_22], %swap3A_25 {strides = array<i32>} : memref<8x144xf32, #tpu.memory_space<vmem>>, vector<1x16xf32>,
      %swap3A_26 = arith.constant 0 : i32
      %swap3A_27 = arith.index_cast %swap3A_26 : i32 to index
      %swap3A_28 = arith.constant 64 : index
      %swap3A_29 = tpu.vector_load %arg10[%swap3A_27, %swap3A_28] {strides = array<i32>} : memref<8x144xf32, #tpu.memory_space<vmem>>, vector<1x16xf32>,
      %swap3A_30 = vector.shape_cast %swap3A_29 : vector<1x16xf32> to vector<16xf32>
      %swap3A_31 = vector.shape_cast %broadcast_in_dim3A_2 : vector<16xf32> to vector<1x16xf32>
      tpu.vector_store %arg10[%swap3A_27, %swap3A_28], %swap3A_31 {strides = array<i32>} : memref<8x144xf32, #tpu.memory_space<vmem>>, vector<1x16xf32>,
      %swap3A_32 = arith.constant 0 : i32
      %swap3A_33 = arith.index_cast %swap3A_32 : i32 to index
      %swap3A_34 = arith.constant 80 : index
      %swap3A_35 = tpu.vector_load %arg10[%swap3A_33, %swap3A_34] {strides = array<i32>} : memref<8x144xf32, #tpu.memory_space<vmem>>, vector<1x16xf32>,
      %swap3A_36 = vector.shape_cast %swap3A_35 : vector<1x16xf32> to vector<16xf32>
      %swap3A_37 = vector.shape_cast %broadcast_in_dim3A_2 : vector<16xf32> to vector<1x16xf32>
      tpu.vector_store %arg10[%swap3A_33, %swap3A_34], %swap3A_37 {strides = array<i32>} : memref<8x144xf32, #tpu.memory_space<vmem>>, vector<1x16xf32>,
      %swap3A_38 = arith.constant 0 : i32
      %swap3A_39 = arith.index_cast %swap3A_38 : i32 to index
      %swap3A_40 = arith.constant 96 : index
      %swap3A_41 = tpu.vector_load %arg10[%swap3A_39, %swap3A_40] {strides = array<i32>} : memref<8x144xf32, #tpu.memory_space<vmem>>, vector<1x16xf32>,
      %swap3A_42 = vector.shape_cast %swap3A_41 : vector<1x16xf32> to vector<16xf32>
      %swap3A_43 = vector.shape_cast %broadcast_in_dim3A_2 : vector<16xf32> to vector<1x16xf32>
      tpu.vector_store %arg10[%swap3A_39, %swap3A_40], %swap3A_43 {strides = array<i32>} : memref<8x144xf32, #tpu.memory_space<vmem>>, vector<1x16xf32>,
      %swap3A_44 = arith.constant 0 : i32
      %swap3A_45 = arith.index_cast %swap3A_44 : i32 to index
      %swap3A_46 = arith.constant 112 : index
      %swap3A_47 = tpu.vector_load %arg10[%swap3A_45, %swap3A_46] {strides = array<i32>} : memref<8x144xf32, #tpu.memory_space<vmem>>, vector<1x16xf32>,
      %swap3A_48 = vector.shape_cast %swap3A_47 : vector<1x16xf32> to vector<16xf32>
      %swap3A_49 = vector.shape_cast %broadcast_in_dim3A_2 : vector<16xf32> to vector<1x16xf32>
      tpu.vector_store %arg10[%swap3A_45, %swap3A_46], %swap3A_49 {strides = array<i32>} : memref<8x144xf32, #tpu.memory_space<vmem>>, vector<1x16xf32>,
      %swap3A_50 = arith.constant 0 : i32
      %swap3A_51 = arith.index_cast %swap3A_50 : i32 to index
      %swap3A_52 = arith.constant 128 : index
      %swap3A_53 = tpu.vector_load %arg10[%swap3A_51, %swap3A_52] {strides = array<i32>} : memref<8x144xf32, #tpu.memory_space<vmem>>, vector<1x16xf32>,
      %swap3A_54 = vector.shape_cast %swap3A_53 : vector<1x16xf32> to vector<16xf32>
      %swap3A_55 = vector.shape_cast %broadcast_in_dim3A_2 : vector<16xf32> to vector<1x16xf32>
      tpu.vector_store %arg10[%swap3A_51, %swap3A_52], %swap3A_55 {strides = array<i32>} : memref<8x144xf32, #tpu.memory_space<vmem>>, vector<1x16xf32>,
      %swap3A_56 = arith.constant 1 : i32
      %swap3A_57 = arith.index_cast %swap3A_56 : i32 to index
      %swap3A_58 = arith.constant 0 : index
      %swap3A_59 = tpu.vector_load %arg10[%swap3A_57, %swap3A_58] {strides = array<i32>} : memref<8x144xf32, #tpu.memory_space<vmem>>, vector<1x16xf32>,
      %swap3A_60 = vector.shape_cast %swap3A_59 : vector<1x16xf32> to vector<16xf32>
      %swap3A_61 = vector.shape_cast %broadcast_in_dim3A_2 : vector<16xf32> to vector<1x16xf32>
      tpu.vector_store %arg10[%swap3A_57, %swap3A_58], %swap3A_61 {strides = array<i32>} : memref<8x144xf32, #tpu.memory_space<vmem>>, vector<1x16xf32>,
      %swap3A_62 = arith.constant 1 : i32
      %swap3A_63 = arith.index_cast %swap3A_62 : i32 to index
      %swap3A_64 = arith.constant 16 : index
      %swap3A_65 = tpu.vector_load %arg10[%swap3A_63, %swap3A_64] {strides = array<i32>} : memref<8x144xf32, #tpu.memory_space<vmem>>, vector<1x16xf32>,
      %swap3A_66 = vector.shape_cast %swap3A_65 : vector<1x16xf32> to vector<16xf32>
      %swap3A_67 = vector.shape_cast %broadcast_in_dim3A_2 : vector<16xf32> to vector<1x16xf32>
      tpu.vector_store %arg10[%swap3A_63, %swap3A_64], %swap3A_67 {strides = array<i32>} : memref<8x144xf32, #tpu.memory_space<vmem>>, vector<1x16xf32>,
      %swap3A_68 = arith.constant 1 : i32
      %swap3A_69 = arith.index_cast %swap3A_68 : i32 to index
      %swap3A_70 = arith.constant 32 : index
      %swap3A_71 = tpu.vector_load %arg10[%swap3A_69, %swap3A_70] {strides = array<i32>} : memref<8x144xf32, #tpu.memory_space<vmem>>, vector<1x16xf32>,
      %swap3A_72 = vector.shape_cast %swap3A_71 : vector<1x16xf32> to vector<16xf32>
      %swap3A_73 = vector.shape_cast %broadcast_in_dim3A_2 : vector<16xf32> to vector<1x16xf32>
      tpu.vector_store %arg10[%swap3A_69, %swap3A_70], %swap3A_73 {strides = array<i32>} : memref<8x144xf32, #tpu.memory_space<vmem>>, vector<1x16xf32>,
      %swap3A_74 = arith.constant 1 : i32
      %swap3A_75 = arith.index_cast %swap3A_74 : i32 to index
      %swap3A_76 = arith.constant 48 : index
      %swap3A_77 = tpu.vector_load %arg10[%swap3A_75, %swap3A_76] {strides = array<i32>} : memref<8x144xf32, #tpu.memory_space<vmem>>, vector<1x16xf32>,
      %swap3A_78 = vector.shape_cast %swap3A_77 : vector<1x16xf32> to vector<16xf32>
      %swap3A_79 = vector.shape_cast %broadcast_in_dim3A_2 : vector<16xf32> to vector<1x16xf32>
      tpu.vector_store %arg10[%swap3A_75, %swap3A_76], %swap3A_79 {strides = array<i32>} : memref<8x144xf32, #tpu.memory_space<vmem>>, vector<1x16xf32>,
      %swap3A_80 = arith.constant 1 : i32
      %swap3A_81 = arith.index_cast %swap3A_80 : i32 to index
      %swap3A_82 = arith.constant 64 : index
      %swap3A_83 = tpu.vector_load %arg10[%swap3A_81, %swap3A_82] {strides = array<i32>} : memref<8x144xf32, #tpu.memory_space<vmem>>, vector<1x16xf32>,
      %swap3A_84 = vector.shape_cast %swap3A_83 : vector<1x16xf32> to vector<16xf32>
      %swap3A_85 = vector.shape_cast %broadcast_in_dim3A_2 : vector<16xf32> to vector<1x16xf32>
      tpu.vector_store %arg10[%swap3A_81, %swap3A_82], %swap3A_85 {strides = array<i32>} : memref<8x144xf32, #tpu.memory_space<vmem>>, vector<1x16xf32>,
      %swap3A_86 = arith.constant 1 : i32
      %swap3A_87 = arith.index_cast %swap3A_86 : i32 to index
      %swap3A_88 = arith.constant 80 : index
      %swap3A_89 = tpu.vector_load %arg10[%swap3A_87, %swap3A_88] {strides = array<i32>} : memref<8x144xf32, #tpu.memory_space<vmem>>, vector<1x16xf32>,
      %swap3A_90 = vector.shape_cast %swap3A_89 : vector<1x16xf32> to vector<16xf32>
      %swap3A_91 = vector.shape_cast %broadcast_in_dim3A_2 : vector<16xf32> to vector<1x16xf32>
      tpu.vector_store %arg10[%swap3A_87, %swap3A_88], %swap3A_91 {strides = array<i32>} : memref<8x144xf32, #tpu.memory_space<vmem>>, vector<1x16xf32>,
      %swap3A_92 = arith.constant 1 : i32
      %swap3A_93 = arith.index_cast %swap3A_92 : i32 to index
      %swap3A_94 = arith.constant 96 : index
      %swap3A_95 = tpu.vector_load %arg10[%swap3A_93, %swap3A_94] {strides = array<i32>} : memref<8x144xf32, #tpu.memory_space<vmem>>, vector<1x16xf32>,
      %swap3A_96 = vector.shape_cast %swap3A_95 : vector<1x16xf32> to vector<16xf32>
      %swap3A_97 = vector.shape_cast %broadcast_in_dim3A_2 : vector<16xf32> to vector<1x16xf32>
      tpu.vector_store %arg10[%swap3A_93, %swap3A_94], %swap3A_97 {strides = array<i32>} : memref<8x144xf32, #tpu.memory_space<vmem>>, vector<1x16xf32>,
      %swap3A_98 = arith.constant 1 : i32
      %swap3A_99 = arith.index_cast %swap3A_98 : i32 to index
      %swap3A_100 = arith.constant 112 : index
      %swap3A_101 = tpu.vector_load %arg10[%swap3A_99, %swap3A_100] {strides = array<i32>} : memref<8x144xf32, #tpu.memory_space<vmem>>, vector<1x16xf32>,
      %swap3A_102 = vector.shape_cast %swap3A_101 : vector<1x16xf32> to vector<16xf32>
      %swap3A_103 = vector.shape_cast %broadcast_in_dim3A_2 : vector<16xf32> to vector<1x16xf32>
      tpu.vector_store %arg10[%swap3A_99, %swap3A_100], %swap3A_103 {strides = array<i32>} : memref<8x144xf32, #tpu.memory_space<vmem>>, vector<1x16xf32>,
      %swap3A_104 = arith.constant 1 : i32
      %swap3A_105 = arith.index_cast %swap3A_104 : i32 to index
      %swap3A_106 = arith.constant 128 : index
      %swap3A_107 = tpu.vector_load %arg10[%swap3A_105, %swap3A_106] {strides = array<i32>} : memref<8x144xf32, #tpu.memory_space<vmem>>, vector<1x16xf32>,
      %swap3A_108 = vector.shape_cast %swap3A_107 : vector<1x16xf32> to vector<16xf32>
      %swap3A_109 = vector.shape_cast %broadcast_in_dim3A_2 : vector<16xf32> to vector<1x16xf32>
      tpu.vector_store %arg10[%swap3A_105, %swap3A_106], %swap3A_109 {strides = array<i32>} : memref<8x144xf32, #tpu.memory_space<vmem>>, vector<1x16xf32>,
      %swap3A_110 = arith.constant 2 : i32
      %swap3A_111 = arith.index_cast %swap3A_110 : i32 to index
      %swap3A_112 = arith.constant 0 : index
      %swap3A_113 = tpu.vector_load %arg10[%swap3A_111, %swap3A_112] {strides = array<i32>} : memref<8x144xf32, #tpu.memory_space<vmem>>, vector<1x16xf32>,
      %swap3A_114 = vector.shape_cast %swap3A_113 : vector<1x16xf32> to vector<16xf32>
      %swap3A_115 = vector.shape_cast %broadcast_in_dim3A_2 : vector<16xf32> to vector<1x16xf32>
      tpu.vector_store %arg10[%swap3A_111, %swap3A_112], %swap3A_115 {strides = array<i32>} : memref<8x144xf32, #tpu.memory_space<vmem>>, vector<1x16xf32>,
      %swap3A_116 = arith.constant 2 : i32
      %swap3A_117 = arith.index_cast %swap3A_116 : i32 to index
      %swap3A_118 = arith.constant 16 : index
      %swap3A_119 = tpu.vector_load %arg10[%swap3A_117, %swap3A_118] {strides = array<i32>} : memref<8x144xf32, #tpu.memory_space<vmem>>, vector<1x16xf32>,
      %swap3A_120 = vector.shape_cast %swap3A_119 : vector<1x16xf32> to vector<16xf32>
      %swap3A_121 = vector.shape_cast %broadcast_in_dim3A_2 : vector<16xf32> to vector<1x16xf32>
      tpu.vector_store %arg10[%swap3A_117, %swap3A_118], %swap3A_121 {strides = array<i32>} : memref<8x144xf32, #tpu.memory_space<vmem>>, vector<1x16xf32>,
      %swap3A_122 = arith.constant 2 : i32
      %swap3A_123 = arith.index_cast %swap3A_122 : i32 to index
      %swap3A_124 = arith.constant 32 : index
      %swap3A_125 = tpu.vector_load %arg10[%swap3A_123, %swap3A_124] {strides = array<i32>} : memref<8x144xf32, #tpu.memory_space<vmem>>, vector<1x16xf32>,
      %swap3A_126 = vector.shape_cast %swap3A_125 : vector<1x16xf32> to vector<16xf32>
      %swap3A_127 = vector.shape_cast %broadcast_in_dim3A_2 : vector<16xf32> to vector<1x16xf32>
      tpu.vector_store %arg10[%swap3A_123, %swap3A_124], %swap3A_127 {strides = array<i32>} : memref<8x144xf32, #tpu.memory_space<vmem>>, vector<1x16xf32>,
      %swap3A_128 = arith.constant 2 : i32
      %swap3A_129 = arith.index_cast %swap3A_128 : i32 to index
      %swap3A_130 = arith.constant 48 : index
      %swap3A_131 = tpu.vector_load %arg10[%swap3A_129, %swap3A_130] {strides = array<i32>} : memref<8x144xf32, #tpu.memory_space<vmem>>, vector<1x16xf32>,
      %swap3A_132 = vector.shape_cast %swap3A_131 : vector<1x16xf32> to vector<16xf32>
      %swap3A_133 = vector.shape_cast %broadcast_in_dim3A_2 : vector<16xf32> to vector<1x16xf32>
      tpu.vector_store %arg10[%swap3A_129, %swap3A_130], %swap3A_133 {strides = array<i32>} : memref<8x144xf32, #tpu.memory_space<vmem>>, vector<1x16xf32>,
      %swap3A_134 = arith.constant 2 : i32
      %swap3A_135 = arith.index_cast %swap3A_134 : i32 to index
      %swap3A_136 = arith.constant 64 : index
      %swap3A_137 = tpu.vector_load %arg10[%swap3A_135, %swap3A_136] {strides = array<i32>} : memref<8x144xf32, #tpu.memory_space<vmem>>, vector<1x16xf32>,
      %swap3A_138 = vector.shape_cast %swap3A_137 : vector<1x16xf32> to vector<16xf32>
      %swap3A_139 = vector.shape_cast %broadcast_in_dim3A_2 : vector<16xf32> to vector<1x16xf32>
      tpu.vector_store %arg10[%swap3A_135, %swap3A_136], %swap3A_139 {strides = array<i32>} : memref<8x144xf32, #tpu.memory_space<vmem>>, vector<1x16xf32>,
      %swap3A_140 = arith.constant 2 : i32
      %swap3A_141 = arith.index_cast %swap3A_140 : i32 to index
      %swap3A_142 = arith.constant 80 : index
      %swap3A_143 = tpu.vector_load %arg10[%swap3A_141, %swap3A_142] {strides = array<i32>} : memref<8x144xf32, #tpu.memory_space<vmem>>, vector<1x16xf32>,
      %swap3A_144 = vector.shape_cast %swap3A_143 : vector<1x16xf32> to vector<16xf32>
      %swap3A_145 = vector.shape_cast %broadcast_in_dim3A_2 : vector<16xf32> to vector<1x16xf32>
      tpu.vector_store %arg10[%swap3A_141, %swap3A_142], %swap3A_145 {strides = array<i32>} : memref<8x144xf32, #tpu.memory_space<vmem>>, vector<1x16xf32>,
      %swap3A_146 = arith.constant 2 : i32
      %swap3A_147 = arith.index_cast %swap3A_146 : i32 to index
      %swap3A_148 = arith.constant 96 : index
      %swap3A_149 = tpu.vector_load %arg10[%swap3A_147, %swap3A_148] {strides = array<i32>} : memref<8x144xf32, #tpu.memory_space<vmem>>, vector<1x16xf32>,
      %swap3A_150 = vector.shape_cast %swap3A_149 : vector<1x16xf32> to vector<16xf32>
      %swap3A_151 = vector.shape_cast %broadcast_in_dim3A_2 : vector<16xf32> to vector<1x16xf32>
      tpu.vector_store %arg10[%swap3A_147, %swap3A_148], %swap3A_151 {strides = array<i32>} : memref<8x144xf32, #tpu.memory_space<vmem>>, vector<1x16xf32>,
      %swap3A_152 = arith.constant 2 : i32
      %swap3A_153 = arith.index_cast %swap3A_152 : i32 to index
      %swap3A_154 = arith.constant 112 : index
      %swap3A_155 = tpu.vector_load %arg10[%swap3A_153, %swap3A_154] {strides = array<i32>} : memref<8x144xf32, #tpu.memory_space<vmem>>, vector<1x16xf32>,
      %swap3A_156 = vector.shape_cast %swap3A_155 : vector<1x16xf32> to vector<16xf32>
      %swap3A_157 = vector.shape_cast %broadcast_in_dim3A_2 : vector<16xf32> to vector<1x16xf32>
      tpu.vector_store %arg10[%swap3A_153, %swap3A_154], %swap3A_157 {strides = array<i32>} : memref<8x144xf32, #tpu.memory_space<vmem>>, vector<1x16xf32>,
      %swap3A_158 = arith.constant 2 : i32
      %swap3A_159 = arith.index_cast %swap3A_158 : i32 to index
      %swap3A_160 = arith.constant 128 : index
      %swap3A_161 = tpu.vector_load %arg10[%swap3A_159, %swap3A_160] {strides = array<i32>} : memref<8x144xf32, #tpu.memory_space<vmem>>, vector<1x16xf32>,
      %swap3A_162 = vector.shape_cast %swap3A_161 : vector<1x16xf32> to vector<16xf32>
      %swap3A_163 = vector.shape_cast %broadcast_in_dim3A_2 : vector<16xf32> to vector<1x16xf32>
      tpu.vector_store %arg10[%swap3A_159, %swap3A_160], %swap3A_163 {strides = array<i32>} : memref<8x144xf32, #tpu.memory_space<vmem>>, vector<1x16xf32>,
      %swap3A_164 = arith.constant 3 : i32
      %swap3A_165 = arith.index_cast %swap3A_164 : i32 to index
      %swap3A_166 = arith.constant 0 : index
      %swap3A_167 = tpu.vector_load %arg10[%swap3A_165, %swap3A_166] {strides = array<i32>} : memref<8x144xf32, #tpu.memory_space<vmem>>, vector<1x16xf32>,
      %swap3A_168 = vector.shape_cast %swap3A_167 : vector<1x16xf32> to vector<16xf32>
      %swap3A_169 = vector.shape_cast %broadcast_in_dim3A_2 : vector<16xf32> to vector<1x16xf32>
      tpu.vector_store %arg10[%swap3A_165, %swap3A_166], %swap3A_169 {strides = array<i32>} : memref<8x144xf32, #tpu.memory_space<vmem>>, vector<1x16xf32>,
      %swap3A_170 = arith.constant 3 : i32
      %swap3A_171 = arith.index_cast %swap3A_170 : i32 to index
      %swap3A_172 = arith.constant 16 : index
      %swap3A_173 = tpu.vector_load %arg10[%swap3A_171, %swap3A_172] {strides = array<i32>} : memref<8x144xf32, #tpu.memory_space<vmem>>, vector<1x16xf32>,
      %swap3A_174 = vector.shape_cast %swap3A_173 : vector<1x16xf32> to vector<16xf32>
      %swap3A_175 = vector.shape_cast %broadcast_in_dim3A_2 : vector<16xf32> to vector<1x16xf32>
      tpu.vector_store %arg10[%swap3A_171, %swap3A_172], %swap3A_175 {strides = array<i32>} : memref<8x144xf32, #tpu.memory_space<vmem>>, vector<1x16xf32>,
      %swap3A_176 = arith.constant 3 : i32
      %swap3A_177 = arith.index_cast %swap3A_176 : i32 to index
      %swap3A_178 = arith.constant 32 : index
      %swap3A_179 = tpu.vector_load %arg10[%swap3A_177, %swap3A_178] {strides = array<i32>} : memref<8x144xf32, #tpu.memory_space<vmem>>, vector<1x16xf32>,
      %swap3A_180 = vector.shape_cast %swap3A_179 : vector<1x16xf32> to vector<16xf32>
      %swap3A_181 = vector.shape_cast %broadcast_in_dim3A_2 : vector<16xf32> to vector<1x16xf32>
      tpu.vector_store %arg10[%swap3A_177, %swap3A_178], %swap3A_181 {strides = array<i32>} : memref<8x144xf32, #tpu.memory_space<vmem>>, vector<1x16xf32>,
      %swap3A_182 = arith.constant 3 : i32
      %swap3A_183 = arith.index_cast %swap3A_182 : i32 to index
      %swap3A_184 = arith.constant 48 : index
      %swap3A_185 = tpu.vector_load %arg10[%swap3A_183, %swap3A_184] {strides = array<i32>} : memref<8x144xf32, #tpu.memory_space<vmem>>, vector<1x16xf32>,
      %swap3A_186 = vector.shape_cast %swap3A_185 : vector<1x16xf32> to vector<16xf32>
      %swap3A_187 = vector.shape_cast %broadcast_in_dim3A_2 : vector<16xf32> to vector<1x16xf32>
      tpu.vector_store %arg10[%swap3A_183, %swap3A_184], %swap3A_187 {strides = array<i32>} : memref<8x144xf32, #tpu.memory_space<vmem>>, vector<1x16xf32>,
      %swap3A_188 = arith.constant 3 : i32
      %swap3A_189 = arith.index_cast %swap3A_188 : i32 to index
      %swap3A_190 = arith.constant 64 : index
      %swap3A_191 = tpu.vector_load %arg10[%swap3A_189, %swap3A_190] {strides = array<i32>} : memref<8x144xf32, #tpu.memory_space<vmem>>, vector<1x16xf32>,
      %swap3A_192 = vector.shape_cast %swap3A_191 : vector<1x16xf32> to vector<16xf32>
      %swap3A_193 = vector.shape_cast %broadcast_in_dim3A_2 : vector<16xf32> to vector<1x16xf32>
      tpu.vector_store %arg10[%swap3A_189, %swap3A_190], %swap3A_193 {strides = array<i32>} : memref<8x144xf32, #tpu.memory_space<vmem>>, vector<1x16xf32>,
      %swap3A_194 = arith.constant 3 : i32
      %swap3A_195 = arith.index_cast %swap3A_194 : i32 to index
      %swap3A_196 = arith.constant 80 : index
      %swap3A_197 = tpu.vector_load %arg10[%swap3A_195, %swap3A_196] {strides = array<i32>} : memref<8x144xf32, #tpu.memory_space<vmem>>, vector<1x16xf32>,
      %swap3A_198 = vector.shape_cast %swap3A_197 : vector<1x16xf32> to vector<16xf32>
      %swap3A_199 = vector.shape_cast %broadcast_in_dim3A_2 : vector<16xf32> to vector<1x16xf32>
      tpu.vector_store %arg10[%swap3A_195, %swap3A_196], %swap3A_199 {strides = array<i32>} : memref<8x144xf32, #tpu.memory_space<vmem>>, vector<1x16xf32>,
      %swap3A_200 = arith.constant 3 : i32
      %swap3A_201 = arith.index_cast %swap3A_200 : i32 to index
      %swap3A_202 = arith.constant 96 : index
      %swap3A_203 = tpu.vector_load %arg10[%swap3A_201, %swap3A_202] {strides = array<i32>} : memref<8x144xf32, #tpu.memory_space<vmem>>, vector<1x16xf32>,
      %swap3A_204 = vector.shape_cast %swap3A_203 : vector<1x16xf32> to vector<16xf32>
      %swap3A_205 = vector.shape_cast %broadcast_in_dim3A_2 : vector<16xf32> to vector<1x16xf32>
      tpu.vector_store %arg10[%swap3A_201, %swap3A_202], %swap3A_205 {strides = array<i32>} : memref<8x144xf32, #tpu.memory_space<vmem>>, vector<1x16xf32>,
      %swap3A_206 = arith.constant 3 : i32
      %swap3A_207 = arith.index_cast %swap3A_206 : i32 to index
      %swap3A_208 = arith.constant 112 : index
      %swap3A_209 = tpu.vector_load %arg10[%swap3A_207, %swap3A_208] {strides = array<i32>} : memref<8x144xf32, #tpu.memory_space<vmem>>, vector<1x16xf32>,
      %swap3A_210 = vector.shape_cast %swap3A_209 : vector<1x16xf32> to vector<16xf32>
      %swap3A_211 = vector.shape_cast %broadcast_in_dim3A_2 : vector<16xf32> to vector<1x16xf32>
      tpu.vector_store %arg10[%swap3A_207, %swap3A_208], %swap3A_211 {strides = array<i32>} : memref<8x144xf32, #tpu.memory_space<vmem>>, vector<1x16xf32>,
      %swap3A_212 = arith.constant 3 : i32
      %swap3A_213 = arith.index_cast %swap3A_212 : i32 to index
      %swap3A_214 = arith.constant 128 : index
      %swap3A_215 = tpu.vector_load %arg10[%swap3A_213, %swap3A_214] {strides = array<i32>} : memref<8x144xf32, #tpu.memory_space<vmem>>, vector<1x16xf32>,
      %swap3A_216 = vector.shape_cast %swap3A_215 : vector<1x16xf32> to vector<16xf32>
      %swap3A_217 = vector.shape_cast %broadcast_in_dim3A_2 : vector<16xf32> to vector<1x16xf32>
      tpu.vector_store %arg10[%swap3A_213, %swap3A_214], %swap3A_217 {strides = array<i32>} : memref<8x144xf32, #tpu.memory_space<vmem>>, vector<1x16xf32>,
      %swap3A_218 = arith.constant 4 : i32
      %swap3A_219 = arith.index_cast %swap3A_218 : i32 to index
      %swap3A_220 = arith.constant 0 : index
      %swap3A_221 = tpu.vector_load %arg10[%swap3A_219, %swap3A_220] {strides = array<i32>} : memref<8x144xf32, #tpu.memory_space<vmem>>, vector<1x16xf32>,
      %swap3A_222 = vector.shape_cast %swap3A_221 : vector<1x16xf32> to vector<16xf32>
      %swap3A_223 = vector.shape_cast %broadcast_in_dim3A_2 : vector<16xf32> to vector<1x16xf32>
      tpu.vector_store %arg10[%swap3A_219, %swap3A_220], %swap3A_223 {strides = array<i32>} : memref<8x144xf32, #tpu.memory_space<vmem>>, vector<1x16xf32>,
      %swap3A_224 = arith.constant 4 : i32
      %swap3A_225 = arith.index_cast %swap3A_224 : i32 to index
      %swap3A_226 = arith.constant 16 : index
      %swap3A_227 = tpu.vector_load %arg10[%swap3A_225, %swap3A_226] {strides = array<i32>} : memref<8x144xf32, #tpu.memory_space<vmem>>, vector<1x16xf32>,
      %swap3A_228 = vector.shape_cast %swap3A_227 : vector<1x16xf32> to vector<16xf32>
      %swap3A_229 = vector.shape_cast %broadcast_in_dim3A_2 : vector<16xf32> to vector<1x16xf32>
      tpu.vector_store %arg10[%swap3A_225, %swap3A_226], %swap3A_229 {strides = array<i32>} : memref<8x144xf32, #tpu.memory_space<vmem>>, vector<1x16xf32>,
      %swap3A_230 = arith.constant 4 : i32
      %swap3A_231 = arith.index_cast %swap3A_230 : i32 to index
      %swap3A_232 = arith.constant 32 : index
      %swap3A_233 = tpu.vector_load %arg10[%swap3A_231, %swap3A_232] {strides = array<i32>} : memref<8x144xf32, #tpu.memory_space<vmem>>, vector<1x16xf32>,
      %swap3A_234 = vector.shape_cast %swap3A_233 : vector<1x16xf32> to vector<16xf32>
      %swap3A_235 = vector.shape_cast %broadcast_in_dim3A_2 : vector<16xf32> to vector<1x16xf32>
      tpu.vector_store %arg10[%swap3A_231, %swap3A_232], %swap3A_235 {strides = array<i32>} : memref<8x144xf32, #tpu.memory_space<vmem>>, vector<1x16xf32>,
      %swap3A_236 = arith.constant 4 : i32
      %swap3A_237 = arith.index_cast %swap3A_236 : i32 to index
      %swap3A_238 = arith.constant 48 : index
      %swap3A_239 = tpu.vector_load %arg10[%swap3A_237, %swap3A_238] {strides = array<i32>} : memref<8x144xf32, #tpu.memory_space<vmem>>, vector<1x16xf32>,
      %swap3A_240 = vector.shape_cast %swap3A_239 : vector<1x16xf32> to vector<16xf32>
      %swap3A_241 = vector.shape_cast %broadcast_in_dim3A_2 : vector<16xf32> to vector<1x16xf32>
      tpu.vector_store %arg10[%swap3A_237, %swap3A_238], %swap3A_241 {strides = array<i32>} : memref<8x144xf32, #tpu.memory_space<vmem>>, vector<1x16xf32>,
      %swap3A_242 = arith.constant 4 : i32
      %swap3A_243 = arith.index_cast %swap3A_242 : i32 to index
      %swap3A_244 = arith.constant 64 : index
      %swap3A_245 = tpu.vector_load %arg10[%swap3A_243, %swap3A_244] {strides = array<i32>} : memref<8x144xf32, #tpu.memory_space<vmem>>, vector<1x16xf32>,
      %swap3A_246 = vector.shape_cast %swap3A_245 : vector<1x16xf32> to vector<16xf32>
      %swap3A_247 = vector.shape_cast %broadcast_in_dim3A_2 : vector<16xf32> to vector<1x16xf32>
      tpu.vector_store %arg10[%swap3A_243, %swap3A_244], %swap3A_247 {strides = array<i32>} : memref<8x144xf32, #tpu.memory_space<vmem>>, vector<1x16xf32>,
      %swap3A_248 = arith.constant 4 : i32
      %swap3A_249 = arith.index_cast %swap3A_248 : i32 to index
      %swap3A_250 = arith.constant 80 : index
      %swap3A_251 = tpu.vector_load %arg10[%swap3A_249, %swap3A_250] {strides = array<i32>} : memref<8x144xf32, #tpu.memory_space<vmem>>, vector<1x16xf32>,
      %swap3A_252 = vector.shape_cast %swap3A_251 : vector<1x16xf32> to vector<16xf32>
      %swap3A_253 = vector.shape_cast %broadcast_in_dim3A_2 : vector<16xf32> to vector<1x16xf32>
      tpu.vector_store %arg10[%swap3A_249, %swap3A_250], %swap3A_253 {strides = array<i32>} : memref<8x144xf32, #tpu.memory_space<vmem>>, vector<1x16xf32>,
      %swap3A_254 = arith.constant 4 : i32
      %swap3A_255 = arith.index_cast %swap3A_254 : i32 to index
      %swap3A_256 = arith.constant 96 : index
      %swap3A_257 = tpu.vector_load %arg10[%swap3A_255, %swap3A_256] {strides = array<i32>} : memref<8x144xf32, #tpu.memory_space<vmem>>, vector<1x16xf32>,
      %swap3A_258 = vector.shape_cast %swap3A_257 : vector<1x16xf32> to vector<16xf32>
      %swap3A_259 = vector.shape_cast %broadcast_in_dim3A_2 : vector<16xf32> to vector<1x16xf32>
      tpu.vector_store %arg10[%swap3A_255, %swap3A_256], %swap3A_259 {strides = array<i32>} : memref<8x144xf32, #tpu.memory_space<vmem>>, vector<1x16xf32>,
      %swap3A_260 = arith.constant 4 : i32
      %swap3A_261 = arith.index_cast %swap3A_260 : i32 to index
      %swap3A_262 = arith.constant 112 : index
      %swap3A_263 = tpu.vector_load %arg10[%swap3A_261, %swap3A_262] {strides = array<i32>} : memref<8x144xf32, #tpu.memory_space<vmem>>, vector<1x16xf32>,
      %swap3A_264 = vector.shape_cast %swap3A_263 : vector<1x16xf32> to vector<16xf32>
      %swap3A_265 = vector.shape_cast %broadcast_in_dim3A_2 : vector<16xf32> to vector<1x16xf32>
      tpu.vector_store %arg10[%swap3A_261, %swap3A_262], %swap3A_265 {strides = array<i32>} : memref<8x144xf32, #tpu.memory_space<vmem>>, vector<1x16xf32>,
      %swap3A_266 = arith.constant 4 : i32
      %swap3A_267 = arith.index_cast %swap3A_266 : i32 to index
      %swap3A_268 = arith.constant 128 : index
      %swap3A_269 = tpu.vector_load %arg10[%swap3A_267, %swap3A_268] {strides = array<i32>} : memref<8x144xf32, #tpu.memory_space<vmem>>, vector<1x16xf32>,
      %swap3A_270 = vector.shape_cast %swap3A_269 : vector<1x16xf32> to vector<16xf32>
      %swap3A_271 = vector.shape_cast %broadcast_in_dim3A_2 : vector<16xf32> to vector<1x16xf32>
      tpu.vector_store %arg10[%swap3A_267, %swap3A_268], %swap3A_271 {strides = array<i32>} : memref<8x144xf32, #tpu.memory_space<vmem>>, vector<1x16xf32>,
      %swap3A_272 = arith.constant 5 : i32
      %swap3A_273 = arith.index_cast %swap3A_272 : i32 to index
      %swap3A_274 = arith.constant 0 : index
      %swap3A_275 = tpu.vector_load %arg10[%swap3A_273, %swap3A_274] {strides = array<i32>} : memref<8x144xf32, #tpu.memory_space<vmem>>, vector<1x16xf32>,
      %swap3A_276 = vector.shape_cast %swap3A_275 : vector<1x16xf32> to vector<16xf32>
      %swap3A_277 = vector.shape_cast %broadcast_in_dim3A_2 : vector<16xf32> to vector<1x16xf32>
      tpu.vector_store %arg10[%swap3A_273, %swap3A_274], %swap3A_277 {strides = array<i32>} : memref<8x144xf32, #tpu.memory_space<vmem>>, vector<1x16xf32>,
      %swap3A_278 = arith.constant 5 : i32
      %swap3A_279 = arith.index_cast %swap3A_278 : i32 to index
      %swap3A_280 = arith.constant 16 : index
      %swap3A_281 = tpu.vector_load %arg10[%swap3A_279, %swap3A_280] {strides = array<i32>} : memref<8x144xf32, #tpu.memory_space<vmem>>, vector<1x16xf32>,
      %swap3A_282 = vector.shape_cast %swap3A_281 : vector<1x16xf32> to vector<16xf32>
      %swap3A_283 = vector.shape_cast %broadcast_in_dim3A_2 : vector<16xf32> to vector<1x16xf32>
      tpu.vector_store %arg10[%swap3A_279, %swap3A_280], %swap3A_283 {strides = array<i32>} : memref<8x144xf32, #tpu.memory_space<vmem>>, vector<1x16xf32>,
      %swap3A_284 = arith.constant 5 : i32
      %swap3A_285 = arith.index_cast %swap3A_284 : i32 to index
      %swap3A_286 = arith.constant 32 : index
      %swap3A_287 = tpu.vector_load %arg10[%swap3A_285, %swap3A_286] {strides = array<i32>} : memref<8x144xf32, #tpu.memory_space<vmem>>, vector<1x16xf32>,
      %swap3A_288 = vector.shape_cast %swap3A_287 : vector<1x16xf32> to vector<16xf32>
      %swap3A_289 = vector.shape_cast %broadcast_in_dim3A_2 : vector<16xf32> to vector<1x16xf32>
      tpu.vector_store %arg10[%swap3A_285, %swap3A_286], %swap3A_289 {strides = array<i32>} : memref<8x144xf32, #tpu.memory_space<vmem>>, vector<1x16xf32>,
      %swap3A_290 = arith.constant 5 : i32
      %swap3A_291 = arith.index_cast %swap3A_290 : i32 to index
      %swap3A_292 = arith.constant 48 : index
      %swap3A_293 = tpu.vector_load %arg10[%swap3A_291, %swap3A_292] {strides = array<i32>} : memref<8x144xf32, #tpu.memory_space<vmem>>, vector<1x16xf32>,
      %swap3A_294 = vector.shape_cast %swap3A_293 : vector<1x16xf32> to vector<16xf32>
      %swap3A_295 = vector.shape_cast %broadcast_in_dim3A_2 : vector<16xf32> to vector<1x16xf32>
      tpu.vector_store %arg10[%swap3A_291, %swap3A_292], %swap3A_295 {strides = array<i32>} : memref<8x144xf32, #tpu.memory_space<vmem>>, vector<1x16xf32>,
      %swap3A_296 = arith.constant 5 : i32
      %swap3A_297 = arith.index_cast %swap3A_296 : i32 to index
      %swap3A_298 = arith.constant 64 : index
      %swap3A_299 = tpu.vector_load %arg10[%swap3A_297, %swap3A_298] {strides = array<i32>} : memref<8x144xf32, #tpu.memory_space<vmem>>, vector<1x16xf32>,
      %swap3A_300 = vector.shape_cast %swap3A_299 : vector<1x16xf32> to vector<16xf32>
      %swap3A_301 = vector.shape_cast %broadcast_in_dim3A_2 : vector<16xf32> to vector<1x16xf32>
      tpu.vector_store %arg10[%swap3A_297, %swap3A_298], %swap3A_301 {strides = array<i32>} : memref<8x144xf32, #tpu.memory_space<vmem>>, vector<1x16xf32>,
      %swap3A_302 = arith.constant 5 : i32
      %swap3A_303 = arith.index_cast %swap3A_302 : i32 to index
      %swap3A_304 = arith.constant 80 : index
      %swap3A_305 = tpu.vector_load %arg10[%swap3A_303, %swap3A_304] {strides = array<i32>} : memref<8x144xf32, #tpu.memory_space<vmem>>, vector<1x16xf32>,
      %swap3A_306 = vector.shape_cast %swap3A_305 : vector<1x16xf32> to vector<16xf32>
      %swap3A_307 = vector.shape_cast %broadcast_in_dim3A_2 : vector<16xf32> to vector<1x16xf32>
      tpu.vector_store %arg10[%swap3A_303, %swap3A_304], %swap3A_307 {strides = array<i32>} : memref<8x144xf32, #tpu.memory_space<vmem>>, vector<1x16xf32>,
      %swap3A_308 = arith.constant 5 : i32
      %swap3A_309 = arith.index_cast %swap3A_308 : i32 to index
      %swap3A_310 = arith.constant 96 : index
      %swap3A_311 = tpu.vector_load %arg10[%swap3A_309, %swap3A_310] {strides = array<i32>} : memref<8x144xf32, #tpu.memory_space<vmem>>, vector<1x16xf32>,
      %swap3A_312 = vector.shape_cast %swap3A_311 : vector<1x16xf32> to vector<16xf32>
      %swap3A_313 = vector.shape_cast %broadcast_in_dim3A_2 : vector<16xf32> to vector<1x16xf32>
      tpu.vector_store %arg10[%swap3A_309, %swap3A_310], %swap3A_313 {strides = array<i32>} : memref<8x144xf32, #tpu.memory_space<vmem>>, vector<1x16xf32>,
      %swap3A_314 = arith.constant 5 : i32
      %swap3A_315 = arith.index_cast %swap3A_314 : i32 to index
      %swap3A_316 = arith.constant 112 : index
      %swap3A_317 = tpu.vector_load %arg10[%swap3A_315, %swap3A_316] {strides = array<i32>} : memref<8x144xf32, #tpu.memory_space<vmem>>, vector<1x16xf32>,
      %swap3A_318 = vector.shape_cast %swap3A_317 : vector<1x16xf32> to vector<16xf32>
      %swap3A_319 = vector.shape_cast %broadcast_in_dim3A_2 : vector<16xf32> to vector<1x16xf32>
      tpu.vector_store %arg10[%swap3A_315, %swap3A_316], %swap3A_319 {strides = array<i32>} : memref<8x144xf32, #tpu.memory_space<vmem>>, vector<1x16xf32>,
      %swap3A_320 = arith.constant 5 : i32
      %swap3A_321 = arith.index_cast %swap3A_320 : i32 to index
      %swap3A_322 = arith.constant 128 : index
      %swap3A_323 = tpu.vector_load %arg10[%swap3A_321, %swap3A_322] {strides = array<i32>} : memref<8x144xf32, #tpu.memory_space<vmem>>, vector<1x16xf32>,
      %swap3A_324 = vector.shape_cast %swap3A_323 : vector<1x16xf32> to vector<16xf32>
      %swap3A_325 = vector.shape_cast %broadcast_in_dim3A_2 : vector<16xf32> to vector<1x16xf32>
      tpu.vector_store %arg10[%swap3A_321, %swap3A_322], %swap3A_325 {strides = array<i32>} : memref<8x144xf32, #tpu.memory_space<vmem>>, vector<1x16xf32>,
      %swap3A_326 = arith.constant 6 : i32
      %swap3A_327 = arith.index_cast %swap3A_326 : i32 to index
      %swap3A_328 = arith.constant 0 : index
      %swap3A_329 = tpu.vector_load %arg10[%swap3A_327, %swap3A_328] {strides = array<i32>} : memref<8x144xf32, #tpu.memory_space<vmem>>, vector<1x16xf32>,
      %swap3A_330 = vector.shape_cast %swap3A_329 : vector<1x16xf32> to vector<16xf32>
      %swap3A_331 = vector.shape_cast %broadcast_in_dim3A_2 : vector<16xf32> to vector<1x16xf32>
      tpu.vector_store %arg10[%swap3A_327, %swap3A_328], %swap3A_331 {strides = array<i32>} : memref<8x144xf32, #tpu.memory_space<vmem>>, vector<1x16xf32>,
      %swap3A_332 = arith.constant 6 : i32
      %swap3A_333 = arith.index_cast %swap3A_332 : i32 to index
      %swap3A_334 = arith.constant 16 : index
      %swap3A_335 = tpu.vector_load %arg10[%swap3A_333, %swap3A_334] {strides = array<i32>} : memref<8x144xf32, #tpu.memory_space<vmem>>, vector<1x16xf32>,
      %swap3A_336 = vector.shape_cast %swap3A_335 : vector<1x16xf32> to vector<16xf32>
      %swap3A_337 = vector.shape_cast %broadcast_in_dim3A_2 : vector<16xf32> to vector<1x16xf32>
      tpu.vector_store %arg10[%swap3A_333, %swap3A_334], %swap3A_337 {strides = array<i32>} : memref<8x144xf32, #tpu.memory_space<vmem>>, vector<1x16xf32>,
      %swap3A_338 = arith.constant 6 : i32
      %swap3A_339 = arith.index_cast %swap3A_338 : i32 to index
      %swap3A_340 = arith.constant 32 : index
      %swap3A_341 = tpu.vector_load %arg10[%swap3A_339, %swap3A_340] {strides = array<i32>} : memref<8x144xf32, #tpu.memory_space<vmem>>, vector<1x16xf32>,
      %swap3A_342 = vector.shape_cast %swap3A_341 : vector<1x16xf32> to vector<16xf32>
      %swap3A_343 = vector.shape_cast %broadcast_in_dim3A_2 : vector<16xf32> to vector<1x16xf32>
      tpu.vector_store %arg10[%swap3A_339, %swap3A_340], %swap3A_343 {strides = array<i32>} : memref<8x144xf32, #tpu.memory_space<vmem>>, vector<1x16xf32>,
      %swap3A_344 = arith.constant 6 : i32
      %swap3A_345 = arith.index_cast %swap3A_344 : i32 to index
      %swap3A_346 = arith.constant 48 : index
      %swap3A_347 = tpu.vector_load %arg10[%swap3A_345, %swap3A_346] {strides = array<i32>} : memref<8x144xf32, #tpu.memory_space<vmem>>, vector<1x16xf32>,
      %swap3A_348 = vector.shape_cast %swap3A_347 : vector<1x16xf32> to vector<16xf32>
      %swap3A_349 = vector.shape_cast %broadcast_in_dim3A_2 : vector<16xf32> to vector<1x16xf32>
      tpu.vector_store %arg10[%swap3A_345, %swap3A_346], %swap3A_349 {strides = array<i32>} : memref<8x144xf32, #tpu.memory_space<vmem>>, vector<1x16xf32>,
      %swap3A_350 = arith.constant 6 : i32
      %swap3A_351 = arith.index_cast %swap3A_350 : i32 to index
      %swap3A_352 = arith.constant 64 : index
      %swap3A_353 = tpu.vector_load %arg10[%swap3A_351, %swap3A_352] {strides = array<i32>} : memref<8x144xf32, #tpu.memory_space<vmem>>, vector<1x16xf32>,
      %swap3A_354 = vector.shape_cast %swap3A_353 : vector<1x16xf32> to vector<16xf32>
      %swap3A_355 = vector.shape_cast %broadcast_in_dim3A_2 : vector<16xf32> to vector<1x16xf32>
      tpu.vector_store %arg10[%swap3A_351, %swap3A_352], %swap3A_355 {strides = array<i32>} : memref<8x144xf32, #tpu.memory_space<vmem>>, vector<1x16xf32>,
      %swap3A_356 = arith.constant 6 : i32
      %swap3A_357 = arith.index_cast %swap3A_356 : i32 to index
      %swap3A_358 = arith.constant 80 : index
      %swap3A_359 = tpu.vector_load %arg10[%swap3A_357, %swap3A_358] {strides = array<i32>} : memref<8x144xf32, #tpu.memory_space<vmem>>, vector<1x16xf32>,
      %swap3A_360 = vector.shape_cast %swap3A_359 : vector<1x16xf32> to vector<16xf32>
      %swap3A_361 = vector.shape_cast %broadcast_in_dim3A_2 : vector<16xf32> to vector<1x16xf32>
      tpu.vector_store %arg10[%swap3A_357, %swap3A_358], %swap3A_361 {strides = array<i32>} : memref<8x144xf32, #tpu.memory_space<vmem>>, vector<1x16xf32>,
      %swap3A_362 = arith.constant 6 : i32
      %swap3A_363 = arith.index_cast %swap3A_362 : i32 to index
      %swap3A_364 = arith.constant 96 : index
      %swap3A_365 = tpu.vector_load %arg10[%swap3A_363, %swap3A_364] {strides = array<i32>} : memref<8x144xf32, #tpu.memory_space<vmem>>, vector<1x16xf32>,
      %swap3A_366 = vector.shape_cast %swap3A_365 : vector<1x16xf32> to vector<16xf32>
      %swap3A_367 = vector.shape_cast %broadcast_in_dim3A_2 : vector<16xf32> to vector<1x16xf32>
      tpu.vector_store %arg10[%swap3A_363, %swap3A_364], %swap3A_367 {strides = array<i32>} : memref<8x144xf32, #tpu.memory_space<vmem>>, vector<1x16xf32>,
      %swap3A_368 = arith.constant 6 : i32
      %swap3A_369 = arith.index_cast %swap3A_368 : i32 to index
      %swap3A_370 = arith.constant 112 : index
      %swap3A_371 = tpu.vector_load %arg10[%swap3A_369, %swap3A_370] {strides = array<i32>} : memref<8x144xf32, #tpu.memory_space<vmem>>, vector<1x16xf32>,
      %swap3A_372 = vector.shape_cast %swap3A_371 : vector<1x16xf32> to vector<16xf32>
      %swap3A_373 = vector.shape_cast %broadcast_in_dim3A_2 : vector<16xf32> to vector<1x16xf32>
      tpu.vector_store %arg10[%swap3A_369, %swap3A_370], %swap3A_373 {strides = array<i32>} : memref<8x144xf32, #tpu.memory_space<vmem>>, vector<1x16xf32>,
      %swap3A_374 = arith.constant 6 : i32
      %swap3A_375 = arith.index_cast %swap3A_374 : i32 to index
      %swap3A_376 = arith.constant 128 : index
      %swap3A_377 = tpu.vector_load %arg10[%swap3A_375, %swap3A_376] {strides = array<i32>} : memref<8x144xf32, #tpu.memory_space<vmem>>, vector<1x16xf32>,
      %swap3A_378 = vector.shape_cast %swap3A_377 : vector<1x16xf32> to vector<16xf32>
      %swap3A_379 = vector.shape_cast %broadcast_in_dim3A_2 : vector<16xf32> to vector<1x16xf32>
      tpu.vector_store %arg10[%swap3A_375, %swap3A_376], %swap3A_379 {strides = array<i32>} : memref<8x144xf32, #tpu.memory_space<vmem>>, vector<1x16xf32>,
      %swap3A_380 = arith.constant 7 : i32
      %swap3A_381 = arith.index_cast %swap3A_380 : i32 to index
      %swap3A_382 = arith.constant 0 : index
      %swap3A_383 = tpu.vector_load %arg10[%swap3A_381, %swap3A_382] {strides = array<i32>} : memref<8x144xf32, #tpu.memory_space<vmem>>, vector<1x16xf32>,
      %swap3A_384 = vector.shape_cast %swap3A_383 : vector<1x16xf32> to vector<16xf32>
      %swap3A_385 = vector.shape_cast %broadcast_in_dim3A_2 : vector<16xf32> to vector<1x16xf32>
      tpu.vector_store %arg10[%swap3A_381, %swap3A_382], %swap3A_385 {strides = array<i32>} : memref<8x144xf32, #tpu.memory_space<vmem>>, vector<1x16xf32>,
      %swap3A_386 = arith.constant 7 : i32
      %swap3A_387 = arith.index_cast %swap3A_386 : i32 to index
      %swap3A_388 = arith.constant 16 : index
      %swap3A_389 = tpu.vector_load %arg10[%swap3A_387, %swap3A_388] {strides = array<i32>} : memref<8x144xf32, #tpu.memory_space<vmem>>, vector<1x16xf32>,
      %swap3A_390 = vector.shape_cast %swap3A_389 : vector<1x16xf32> to vector<16xf32>
      %swap3A_391 = vector.shape_cast %broadcast_in_dim3A_2 : vector<16xf32> to vector<1x16xf32>
      tpu.vector_store %arg10[%swap3A_387, %swap3A_388], %swap3A_391 {strides = array<i32>} : memref<8x144xf32, #tpu.memory_space<vmem>>, vector<1x16xf32>,
      %swap3A_392 = arith.constant 7 : i32
      %swap3A_393 = arith.index_cast %swap3A_392 : i32 to index
      %swap3A_394 = arith.constant 32 : index
      %swap3A_395 = tpu.vector_load %arg10[%swap3A_393, %swap3A_394] {strides = array<i32>} : memref<8x144xf32, #tpu.memory_space<vmem>>, vector<1x16xf32>,
      %swap3A_396 = vector.shape_cast %swap3A_395 : vector<1x16xf32> to vector<16xf32>
      %swap3A_397 = vector.shape_cast %broadcast_in_dim3A_2 : vector<16xf32> to vector<1x16xf32>
      tpu.vector_store %arg10[%swap3A_393, %swap3A_394], %swap3A_397 {strides = array<i32>} : memref<8x144xf32, #tpu.memory_space<vmem>>, vector<1x16xf32>,
      %swap3A_398 = arith.constant 7 : i32
      %swap3A_399 = arith.index_cast %swap3A_398 : i32 to index
      %swap3A_400 = arith.constant 48 : index
      %swap3A_401 = tpu.vector_load %arg10[%swap3A_399, %swap3A_400] {strides = array<i32>} : memref<8x144xf32, #tpu.memory_space<vmem>>, vector<1x16xf32>,
      %swap3A_402 = vector.shape_cast %swap3A_401 : vector<1x16xf32> to vector<16xf32>
      %swap3A_403 = vector.shape_cast %broadcast_in_dim3A_2 : vector<16xf32> to vector<1x16xf32>
      tpu.vector_store %arg10[%swap3A_399, %swap3A_400], %swap3A_403 {strides = array<i32>} : memref<8x144xf32, #tpu.memory_space<vmem>>, vector<1x16xf32>,
      %swap3A_404 = arith.constant 7 : i32
      %swap3A_405 = arith.index_cast %swap3A_404 : i32 to index
      %swap3A_406 = arith.constant 64 : index
      %swap3A_407 = tpu.vector_load %arg10[%swap3A_405, %swap3A_406] {strides = array<i32>} : memref<8x144xf32, #tpu.memory_space<vmem>>, vector<1x16xf32>,
      %swap3A_408 = vector.shape_cast %swap3A_407 : vector<1x16xf32> to vector<16xf32>
      %swap3A_409 = vector.shape_cast %broadcast_in_dim3A_2 : vector<16xf32> to vector<1x16xf32>
      tpu.vector_store %arg10[%swap3A_405, %swap3A_406], %swap3A_409 {strides = array<i32>} : memref<8x144xf32, #tpu.memory_space<vmem>>, vector<1x16xf32>,
      %swap3A_410 = arith.constant 7 : i32
      %swap3A_411 = arith.index_cast %swap3A_410 : i32 to index
      %swap3A_412 = arith.constant 80 : index
      %swap3A_413 = tpu.vector_load %arg10[%swap3A_411, %swap3A_412] {strides = array<i32>} : memref<8x144xf32, #tpu.memory_space<vmem>>, vector<1x16xf32>,
      %swap3A_414 = vector.shape_cast %swap3A_413 : vector<1x16xf32> to vector<16xf32>
      %swap3A_415 = vector.shape_cast %broadcast_in_dim3A_2 : vector<16xf32> to vector<1x16xf32>
      tpu.vector_store %arg10[%swap3A_411, %swap3A_412], %swap3A_415 {strides = array<i32>} : memref<8x144xf32, #tpu.memory_space<vmem>>, vector<1x16xf32>,
      %swap3A_416 = arith.constant 7 : i32
      %swap3A_417 = arith.index_cast %swap3A_416 : i32 to index
      %swap3A_418 = arith.constant 96 : index
      %swap3A_419 = tpu.vector_load %arg10[%swap3A_417, %swap3A_418] {strides = array<i32>} : memref<8x144xf32, #tpu.memory_space<vmem>>, vector<1x16xf32>,
      %swap3A_420 = vector.shape_cast %swap3A_419 : vector<1x16xf32> to vector<16xf32>
      %swap3A_421 = vector.shape_cast %broadcast_in_dim3A_2 : vector<16xf32> to vector<1x16xf32>
      tpu.vector_store %arg10[%swap3A_417, %swap3A_418], %swap3A_421 {strides = array<i32>} : memref<8x144xf32, #tpu.memory_space<vmem>>, vector<1x16xf32>,
      %swap3A_422 = arith.constant 7 : i32
      %swap3A_423 = arith.index_cast %swap3A_422 : i32 to index
      %swap3A_424 = arith.constant 112 : index
      %swap3A_425 = tpu.vector_load %arg10[%swap3A_423, %swap3A_424] {strides = array<i32>} : memref<8x144xf32, #tpu.memory_space<vmem>>, vector<1x16xf32>,
      %swap3A_426 = vector.shape_cast %swap3A_425 : vector<1x16xf32> to vector<16xf32>
      %swap3A_427 = vector.shape_cast %broadcast_in_dim3A_2 : vector<16xf32> to vector<1x16xf32>
      tpu.vector_store %arg10[%swap3A_423, %swap3A_424], %swap3A_427 {strides = array<i32>} : memref<8x144xf32, #tpu.memory_space<vmem>>, vector<1x16xf32>,
      %swap3A_428 = arith.constant 7 : i32
      %swap3A_429 = arith.index_cast %swap3A_428 : i32 to index
      %swap3A_430 = arith.constant 128 : index
      %swap3A_431 = tpu.vector_load %arg10[%swap3A_429, %swap3A_430] {strides = array<i32>} : memref<8x144xf32, #tpu.memory_space<vmem>>, vector<1x16xf32>,
      %swap3A_432 = vector.shape_cast %swap3A_431 : vector<1x16xf32> to vector<16xf32>
      %swap3A_433 = vector.shape_cast %broadcast_in_dim3A_2 : vector<16xf32> to vector<1x16xf32>
      tpu.vector_store %arg10[%swap3A_429, %swap3A_430], %swap3A_433 {strides = array<i32>} : memref<8x144xf32, #tpu.memory_space<vmem>>, vector<1x16xf32>,
      %mul3A = arith.constant 640 : i32
      %mul3A_434 = arith.muli %arg1, %mul3A : i32
      %scan3A = arith.constant 0 : i32
      %scan3A_435 = arith.constant 80 : i32
      %scan3A_436 = arith.addi %scan3A, %scan3A_435 : i32
      %scan3A_437 = arith.constant 1 : i32
      scf.for %scan3A_455 = %scan3A to %scan3A_436 step %scan3A_437  : i32 {
        %mul3A_456 = arith.constant 8 : i32
        %mul3A_457 = arith.muli %scan3A_455, %mul3A_456 : i32
        %add3A = arith.addi %mul3A_434, %mul3A_457 : i32
        "tpu.region"() ({
          %run_scoped3A = tpu.sem_alloc : memref<!tpu.dma_semaphore, #tpu.memory_space<semaphore_mem>>
          %dma_start3A_458 = arith.constant 0 : i32
          %dma_start3A_459 = tpu.memref_slice %arg5[%add3A, %dma_start3A_458] : memref<10240x144xf32, #tpu.memory_space<vmem_shared>> -> memref<8x144xf32, #tpu.memory_space<vmem_shared>>
          %dma_start3A_460 = arith.constant 0 : i32
          %dma_start3A_461 = tpu.memref_slice %arg5[%add3A, %dma_start3A_460] : memref<10240x144xf32, #tpu.memory_space<vmem_shared>> -> memref<8x144xf32, #tpu.memory_space<vmem_shared>>
          tpu.enqueue_dma source(%arg10 : memref<8x144xf32, #tpu.memory_space<vmem>>) target(%dma_start3A_461 : memref<8x144xf32, #tpu.memory_space<vmem_shared>>) target_semaphore(%run_scoped3A : memref<!tpu.dma_semaphore, #tpu.memory_space<semaphore_mem>>)
          %dma_wait3A = arith.constant 0 : i32
          %dma_wait3A_462 = tpu.memref_slice %arg5[%add3A, %dma_wait3A] : memref<10240x144xf32, #tpu.memory_space<vmem_shared>> -> memref<8x144xf32, #tpu.memory_space<vmem_shared>>
          %dma_wait3A_463 = arith.constant 0 : i32
          %dma_wait3A_464 = tpu.memref_slice %arg5[%add3A, %dma_wait3A_463] : memref<10240x144xf32, #tpu.memory_space<vmem_shared>> -> memref<8x144xf32, #tpu.memory_space<vmem_shared>>
          tpu.wait_dma2 semaphore(%run_scoped3A : memref<!tpu.dma_semaphore, #tpu.memory_space<semaphore_mem>>) src(%arg10 : memref<8x144xf32, #tpu.memory_space<vmem>>) dst(%dma_wait3A_464 : memref<8x144xf32, #tpu.memory_space<vmem_shared>>)
          tpu.yield
        }) : () -> ()
      }
      %scan3A_438 = arith.constant 80 : i32
      %barrier3A = arith.constant 0 : index
      tpu.barrier barrier_id(%barrier3A)
      %mul3A_439 = arith.constant 160 : i32
      %mul3A_440 = arith.muli %arg1, %mul3A_439 : i32
      %mul3A_441 = arith.constant 2 : i32
      %mul3A_442 = arith.muli %mul3A_441, %mul3A_440 : i32
      "tpu.region"() ({
        %run_scoped3A = tpu.sem_alloc : memref<!tpu.dma_semaphore, #tpu.memory_space<semaphore_mem>>
        %dma_start3A_455 = arith.constant 0 : i32
        %dma_start3A_456 = tpu.memref_slice %arg3[%mul3A_442, %dma_start3A_455] : memref<5120x128xi32, #tpu.memory_space<hbm>> -> memref<2x128xi32, #tpu.memory_space<hbm>>
        %dma_start3A_457 = arith.constant 0 : i32
        %dma_start3A_458 = tpu.memref_slice %arg3[%mul3A_442, %dma_start3A_457] : memref<5120x128xi32, #tpu.memory_space<hbm>> -> memref<2x128xi32, #tpu.memory_space<hbm>>
        tpu.enqueue_dma source(%dma_start3A_458 : memref<2x128xi32, #tpu.memory_space<hbm>>) target(%arg6 : memref<2x128xi32, #tpu.memory_space<vmem>>) target_semaphore(%run_scoped3A : memref<!tpu.dma_semaphore, #tpu.memory_space<semaphore_mem>>)
        %dma_wait3A = arith.constant 0 : i32
        %dma_wait3A_459 = tpu.memref_slice %arg3[%mul3A_442, %dma_wait3A] : memref<5120x128xi32, #tpu.memory_space<hbm>> -> memref<2x128xi32, #tpu.memory_space<hbm>>
        %dma_wait3A_460 = arith.constant 0 : i32
        %dma_wait3A_461 = tpu.memref_slice %arg3[%mul3A_442, %dma_wait3A_460] : memref<5120x128xi32, #tpu.memory_space<hbm>> -> memref<2x128xi32, #tpu.memory_space<hbm>>
        tpu.wait_dma2 semaphore(%run_scoped3A : memref<!tpu.dma_semaphore, #tpu.memory_space<semaphore_mem>>) src(%dma_wait3A_461 : memref<2x128xi32, #tpu.memory_space<hbm>>) dst(%arg6 : memref<2x128xi32, #tpu.memory_space<vmem>>)
        tpu.yield
      }) : () -> ()
      %dma_start3A = arith.constant 0 : i32
      %dma_start3A_443 = arith.constant 0 : i32
      %dma_start3A_444 = tpu.memref_slice %arg6[%dma_start3A, %dma_start3A_443] : memref<2x128xi32, #tpu.memory_space<vmem>> -> memref<1x128xi32, #tpu.memory_space<vmem>>
      %dma_start3A_445 = tpu.memref_squeeze %dma_start3A_444 : memref<1x128xi32, #tpu.memory_space<vmem>> -> memref<128xi32, #tpu.memory_space<vmem>>
      %dma_start3A_446 = arith.constant 0 : i32
      %dma_start3A_447 = arith.constant 0 : i32
      %dma_start3A_448 = tpu.memref_slice %arg2[%dma_start3A_446, %dma_start3A_447] : memref<10000x144xf32, #tpu.memory_space<hbm>> -> memref<10000x144xf32, #tpu.memory_space<hbm>>
      tpu.enqueue_indirect_dma source(%dma_start3A_448 : memref<10000x144xf32, #tpu.memory_space<hbm>>) target(%arg8 : memref<128x144xf32, #tpu.memory_space<vmem>>) offsets(%dma_start3A_445 : memref<128xi32, #tpu.memory_space<vmem>>) semaphore(%arg11 : memref<!tpu.dma_semaphore, #tpu.memory_space<semaphore_mem>>)
      %scan3A_449 = arith.constant 0 : i32
      %scan3A_450 = arith.constant 80 : i32
      %scan3A_451 = arith.addi %scan3A_449, %scan3A_450 : i32
      %scan3A_452 = arith.constant 1 : i32
      scf.for %scan3A_455 = %scan3A_449 to %scan3A_451 step %scan3A_452  : i32 {
        %mul3A_456 = arith.constant 2 : i32
        %mul3A_457 = arith.muli %mul3A_456, %scan3A_455 : i32
        %add3A = arith.addi %mul3A_440, %mul3A_457 : i32
        %add3A_458 = arith.constant 1 : i32
        %add3A_459 = arith.addi %add3A, %add3A_458 : i32
        %mul3A_460 = arith.constant 2 : i32
        %mul3A_461 = arith.muli %mul3A_460, %add3A_459 : i32
        "tpu.region"() ({
          %run_scoped3A_489 = tpu.sem_alloc : memref<!tpu.dma_semaphore, #tpu.memory_space<semaphore_mem>>
          %dma_start3A_490 = arith.constant 0 : i32
          %dma_start3A_491 = tpu.memref_slice %arg3[%mul3A_461, %dma_start3A_490] : memref<5120x128xi32, #tpu.memory_space<hbm>> -> memref<2x128xi32, #tpu.memory_space<hbm>>
          %dma_start3A_492 = arith.constant 0 : i32
          %dma_start3A_493 = tpu.memref_slice %arg3[%mul3A_461, %dma_start3A_492] : memref<5120x128xi32, #tpu.memory_space<hbm>> -> memref<2x128xi32, #tpu.memory_space<hbm>>
          tpu.enqueue_dma source(%dma_start3A_493 : memref<2x128xi32, #tpu.memory_space<hbm>>) target(%arg7 : memref<2x128xi32, #tpu.memory_space<vmem>>) target_semaphore(%run_scoped3A_489 : memref<!tpu.dma_semaphore, #tpu.memory_space<semaphore_mem>>)
          %dma_wait3A_494 = arith.constant 0 : i32
          %dma_wait3A_495 = tpu.memref_slice %arg3[%mul3A_461, %dma_wait3A_494] : memref<5120x128xi32, #tpu.memory_space<hbm>> -> memref<2x128xi32, #tpu.memory_space<hbm>>
          %dma_wait3A_496 = arith.constant 0 : i32
          %dma_wait3A_497 = tpu.memref_slice %arg3[%mul3A_461, %dma_wait3A_496] : memref<5120x128xi32, #tpu.memory_space<hbm>> -> memref<2x128xi32, #tpu.memory_space<hbm>>
          tpu.wait_dma2 semaphore(%run_scoped3A_489 : memref<!tpu.dma_semaphore, #tpu.memory_space<semaphore_mem>>) src(%dma_wait3A_497 : memref<2x128xi32, #tpu.memory_space<hbm>>) dst(%arg7 : memref<2x128xi32, #tpu.memory_space<vmem>>)
          tpu.yield
        }) : () -> ()
        %dma_start3A_462 = arith.constant 0 : i32
        %dma_start3A_463 = arith.constant 0 : i32
        %dma_start3A_464 = tpu.memref_slice %arg7[%dma_start3A_462, %dma_start3A_463] : memref<2x128xi32, #tpu.memory_space<vmem>> -> memref<1x128xi32, #tpu.memory_space<vmem>>
        %dma_start3A_465 = tpu.memref_squeeze %dma_start3A_464 : memref<1x128xi32, #tpu.memory_space<vmem>> -> memref<128xi32, #tpu.memory_space<vmem>>
        %dma_start3A_466 = arith.constant 0 : i32
        %dma_start3A_467 = arith.constant 0 : i32
        %dma_start3A_468 = tpu.memref_slice %arg2[%dma_start3A_466, %dma_start3A_467] : memref<10000x144xf32, #tpu.memory_space<hbm>> -> memref<10000x144xf32, #tpu.memory_space<hbm>>
        tpu.enqueue_indirect_dma source(%dma_start3A_468 : memref<10000x144xf32, #tpu.memory_space<hbm>>) target(%arg9 : memref<128x144xf32, #tpu.memory_space<vmem>>) offsets(%dma_start3A_465 : memref<128xi32, #tpu.memory_space<vmem>>) semaphore(%arg12 : memref<!tpu.dma_semaphore, #tpu.memory_space<semaphore_mem>>)
        %dma_wait3A = arith.constant 0 : i32
        %dma_wait3A_469 = arith.constant 0 : i32
        %dma_wait3A_470 = tpu.memref_slice %arg6[%dma_wait3A, %dma_wait3A_469] : memref<2x128xi32, #tpu.memory_space<vmem>> -> memref<1x128xi32, #tpu.memory_space<vmem>>
        %dma_wait3A_471 = tpu.memref_squeeze %dma_wait3A_470 : memref<1x128xi32, #tpu.memory_space<vmem>> -> memref<128xi32, #tpu.memory_space<vmem>>
        %dma_wait3A_472 = arith.constant 0 : i32
        %dma_wait3A_473 = arith.constant 0 : i32
        %dma_wait3A_474 = tpu.memref_slice %arg2[%dma_wait3A_472, %dma_wait3A_473] : memref<10000x144xf32, #tpu.memory_space<hbm>> -> memref<10000x144xf32, #tpu.memory_space<hbm>>
        tpu.wait_indirect_dma semaphore(%arg11 : memref<!tpu.dma_semaphore, #tpu.memory_space<semaphore_mem>>) src(%dma_wait3A_474 : memref<10000x144xf32, #tpu.memory_space<hbm>>) dst(%arg8 : memref<128x144xf32, #tpu.memory_space<vmem>>)
        %run_scoped3A = arith.constant 1 : i32
        "tpu.region"() ({
          %run_scoped3A_489 = tpu.sem_alloc : memref<!tpu.dma_semaphore, #tpu.memory_space<semaphore_mem>>
          %dma_start3A_490 = arith.constant 0 : i32
          %dma_start3A_491 = tpu.memref_slice %arg6[%run_scoped3A, %dma_start3A_490] : memref<2x128xi32, #tpu.memory_space<vmem>> -> memref<1x128xi32, #tpu.memory_space<vmem>>
          %dma_start3A_492 = tpu.memref_squeeze %dma_start3A_491 : memref<1x128xi32, #tpu.memory_space<vmem>> -> memref<128xi32, #tpu.memory_space<vmem>>
          %dma_start3A_493 = arith.constant 0 : i32
          %dma_start3A_494 = arith.constant 0 : i32
          %dma_start3A_495 = tpu.memref_slice %arg5[%dma_start3A_493, %dma_start3A_494] : memref<10240x144xf32, #tpu.memory_space<vmem_shared>> -> memref<10240x144xf32, #tpu.memory_space<vmem_shared>>
          tpu.enqueue_indirect_dma source(%arg8 : memref<128x144xf32, #tpu.memory_space<vmem>>) target(%dma_start3A_495 : memref<10240x144xf32, #tpu.memory_space<vmem_shared>>) offsets(%dma_start3A_492 : memref<128xi32, #tpu.memory_space<vmem>>) semaphore(%run_scoped3A_489 : memref<!tpu.dma_semaphore, #tpu.memory_space<semaphore_mem>>) {add = true}
          %dma_wait3A_496 = arith.constant 0 : i32
          %dma_wait3A_497 = tpu.memref_slice %arg6[%run_scoped3A, %dma_wait3A_496] : memref<2x128xi32, #tpu.memory_space<vmem>> -> memref<1x128xi32, #tpu.memory_space<vmem>>
          %dma_wait3A_498 = tpu.memref_squeeze %dma_wait3A_497 : memref<1x128xi32, #tpu.memory_space<vmem>> -> memref<128xi32, #tpu.memory_space<vmem>>
          %dma_wait3A_499 = arith.constant 0 : i32
          %dma_wait3A_500 = arith.constant 0 : i32
          %dma_wait3A_501 = tpu.memref_slice %arg5[%dma_wait3A_499, %dma_wait3A_500] : memref<10240x144xf32, #tpu.memory_space<vmem_shared>> -> memref<10240x144xf32, #tpu.memory_space<vmem_shared>>
          tpu.wait_indirect_dma semaphore(%run_scoped3A_489 : memref<!tpu.dma_semaphore, #tpu.memory_space<semaphore_mem>>) src(%arg8 : memref<128x144xf32, #tpu.memory_space<vmem>>) dst(%dma_wait3A_501 : memref<10240x144xf32, #tpu.memory_space<vmem_shared>>)
          tpu.yield
        }) : () -> ()
        %add3A_475 = arith.constant 1 : i32
        %add3A_476 = arith.addi %scan3A_455, %add3A_475 : i32
        %lt3A = arith.constant 80 : i32
        %lt3A_477 = arith.cmpi slt, %add3A_476, %lt3A : i32
        %convert_element_type3A_478 = arith.extui %lt3A_477 : i1 to i32
        %cond3A_479 = arith.constant 0 : i32
        %cond3A_480 = arith.cmpi ne, %convert_element_type3A_478, %cond3A_479 : i32
        scf.if %cond3A_480 {
          %add3A_489 = arith.constant 1 : i32
          %add3A_490 = arith.addi %add3A_459, %add3A_489 : i32
          %mul3A_491 = arith.constant 2 : i32
          %mul3A_492 = arith.muli %mul3A_491, %add3A_490 : i32
          "tpu.region"() ({
            %run_scoped3A_500 = tpu.sem_alloc : memref<!tpu.dma_semaphore, #tpu.memory_space<semaphore_mem>>
            %dma_start3A_501 = arith.constant 0 : i32
            %dma_start3A_502 = tpu.memref_slice %arg3[%mul3A_492, %dma_start3A_501] : memref<5120x128xi32, #tpu.memory_space<hbm>> -> memref<2x128xi32, #tpu.memory_space<hbm>>
            %dma_start3A_503 = arith.constant 0 : i32
            %dma_start3A_504 = tpu.memref_slice %arg3[%mul3A_492, %dma_start3A_503] : memref<5120x128xi32, #tpu.memory_space<hbm>> -> memref<2x128xi32, #tpu.memory_space<hbm>>
            tpu.enqueue_dma source(%dma_start3A_504 : memref<2x128xi32, #tpu.memory_space<hbm>>) target(%arg6 : memref<2x128xi32, #tpu.memory_space<vmem>>) target_semaphore(%run_scoped3A_500 : memref<!tpu.dma_semaphore, #tpu.memory_space<semaphore_mem>>)
            %dma_wait3A_505 = arith.constant 0 : i32
            %dma_wait3A_506 = tpu.memref_slice %arg3[%mul3A_492, %dma_wait3A_505] : memref<5120x128xi32, #tpu.memory_space<hbm>> -> memref<2x128xi32, #tpu.memory_space<hbm>>
            %dma_wait3A_507 = arith.constant 0 : i32
            %dma_wait3A_508 = tpu.memref_slice %arg3[%mul3A_492, %dma_wait3A_507] : memref<5120x128xi32, #tpu.memory_space<hbm>> -> memref<2x128xi32, #tpu.memory_space<hbm>>
            tpu.wait_dma2 semaphore(%run_scoped3A_500 : memref<!tpu.dma_semaphore, #tpu.memory_space<semaphore_mem>>) src(%dma_wait3A_508 : memref<2x128xi32, #tpu.memory_space<hbm>>) dst(%arg6 : memref<2x128xi32, #tpu.memory_space<vmem>>)
            tpu.yield
          }) : () -> ()
          %dma_start3A_493 = arith.constant 0 : i32
          %dma_start3A_494 = arith.constant 0 : i32
          %dma_start3A_495 = tpu.memref_slice %arg6[%dma_start3A_493, %dma_start3A_494] : memref<2x128xi32, #tpu.memory_space<vmem>> -> memref<1x128xi32, #tpu.memory_space<vmem>>
          %dma_start3A_496 = tpu.memref_squeeze %dma_start3A_495 : memref<1x128xi32, #tpu.memory_space<vmem>> -> memref<128xi32, #tpu.memory_space<vmem>>
          %dma_start3A_497 = arith.constant 0 : i32
          %dma_start3A_498 = arith.constant 0 : i32
          %dma_start3A_499 = tpu.memref_slice %arg2[%dma_start3A_497, %dma_start3A_498] : memref<10000x144xf32, #tpu.memory_space<hbm>> -> memref<10000x144xf32, #tpu.memory_space<hbm>>
          tpu.enqueue_indirect_dma source(%dma_start3A_499 : memref<10000x144xf32, #tpu.memory_space<hbm>>) target(%arg8 : memref<128x144xf32, #tpu.memory_space<vmem>>) offsets(%dma_start3A_496 : memref<128xi32, #tpu.memory_space<vmem>>) semaphore(%arg11 : memref<!tpu.dma_semaphore, #tpu.memory_space<semaphore_mem>>)
        } else {
        }
        %dma_wait3A_481 = arith.constant 0 : i32
        %dma_wait3A_482 = arith.constant 0 : i32
        %dma_wait3A_483 = tpu.memref_slice %arg7[%dma_wait3A_481, %dma_wait3A_482] : memref<2x128xi32, #tpu.memory_space<vmem>> -> memref<1x128xi32, #tpu.memory_space<vmem>>
        %dma_wait3A_484 = tpu.memref_squeeze %dma_wait3A_483 : memref<1x128xi32, #tpu.memory_space<vmem>> -> memref<128xi32, #tpu.memory_space<vmem>>
        %dma_wait3A_485 = arith.constant 0 : i32
        %dma_wait3A_486 = arith.constant 0 : i32
        %dma_wait3A_487 = tpu.memref_slice %arg2[%dma_wait3A_485, %dma_wait3A_486] : memref<10000x144xf32, #tpu.memory_space<hbm>> -> memref<10000x144xf32, #tpu.memory_space<hbm>>
        tpu.wait_indirect_dma semaphore(%arg12 : memref<!tpu.dma_semaphore, #tpu.memory_space<semaphore_mem>>) src(%dma_wait3A_487 : memref<10000x144xf32, #tpu.memory_space<hbm>>) dst(%arg9 : memref<128x144xf32, #tpu.memory_space<vmem>>)
        %run_scoped3A_488 = arith.constant 1 : i32
        "tpu.region"() ({
          %run_scoped3A_489 = tpu.sem_alloc : memref<!tpu.dma_semaphore, #tpu.memory_space<semaphore_mem>>
          %dma_start3A_490 = arith.constant 0 : i32
          %dma_start3A_491 = tpu.memref_slice %arg7[%run_scoped3A_488, %dma_start3A_490] : memref<2x128xi32, #tpu.memory_space<vmem>> -> memref<1x128xi32, #tpu.memory_space<vmem>>
          %dma_start3A_492 = tpu.memref_squeeze %dma_start3A_491 : memref<1x128xi32, #tpu.memory_space<vmem>> -> memref<128xi32, #tpu.memory_space<vmem>>
          %dma_start3A_493 = arith.constant 0 : i32
          %dma_start3A_494 = arith.constant 0 : i32
          %dma_start3A_495 = tpu.memref_slice %arg5[%dma_start3A_493, %dma_start3A_494] : memref<10240x144xf32, #tpu.memory_space<vmem_shared>> -> memref<10240x144xf32, #tpu.memory_space<vmem_shared>>
          tpu.enqueue_indirect_dma source(%arg9 : memref<128x144xf32, #tpu.memory_space<vmem>>) target(%dma_start3A_495 : memref<10240x144xf32, #tpu.memory_space<vmem_shared>>) offsets(%dma_start3A_492 : memref<128xi32, #tpu.memory_space<vmem>>) semaphore(%run_scoped3A_489 : memref<!tpu.dma_semaphore, #tpu.memory_space<semaphore_mem>>) {add = true}
          %dma_wait3A_496 = arith.constant 0 : i32
          %dma_wait3A_497 = tpu.memref_slice %arg7[%run_scoped3A_488, %dma_wait3A_496] : memref<2x128xi32, #tpu.memory_space<vmem>> -> memref<1x128xi32, #tpu.memory_space<vmem>>
          %dma_wait3A_498 = tpu.memref_squeeze %dma_wait3A_497 : memref<1x128xi32, #tpu.memory_space<vmem>> -> memref<128xi32, #tpu.memory_space<vmem>>
          %dma_wait3A_499 = arith.constant 0 : i32
          %dma_wait3A_500 = arith.constant 0 : i32
          %dma_wait3A_501 = tpu.memref_slice %arg5[%dma_wait3A_499, %dma_wait3A_500] : memref<10240x144xf32, #tpu.memory_space<vmem_shared>> -> memref<10240x144xf32, #tpu.memory_space<vmem_shared>>
          tpu.wait_indirect_dma semaphore(%run_scoped3A_489 : memref<!tpu.dma_semaphore, #tpu.memory_space<semaphore_mem>>) src(%arg9 : memref<128x144xf32, #tpu.memory_space<vmem>>) dst(%dma_wait3A_501 : memref<10240x144xf32, #tpu.memory_space<vmem_shared>>)
          tpu.yield
        }) : () -> ()
      }
      %scan3A_453 = arith.constant 80 : i32
      %barrier3A_454 = arith.constant 0 : index
      tpu.barrier barrier_id(%barrier3A_454)
      "tpu.region"() ({
        %run_scoped3A = tpu.sem_alloc : memref<!tpu.dma_semaphore, #tpu.memory_space<semaphore_mem>>
        %dma_start3A_455 = arith.constant 0 : i32
        %dma_start3A_456 = tpu.memref_slice %arg4[%mul3A_434, %dma_start3A_455] : memref<10240x144xf32, #tpu.memory_space<hbm>> -> memref<640x144xf32, #tpu.memory_space<hbm>>
        %dma_start3A_457 = arith.constant 0 : i32
        %dma_start3A_458 = tpu.memref_slice %arg5[%mul3A_434, %dma_start3A_457] : memref<10240x144xf32, #tpu.memory_space<vmem_shared>> -> memref<640x144xf32, #tpu.memory_space<vmem_shared>>
        tpu.enqueue_dma source(%dma_start3A_458 : memref<640x144xf32, #tpu.memory_space<vmem_shared>>) target(%dma_start3A_456 : memref<640x144xf32, #tpu.memory_space<hbm>>) target_semaphore(%run_scoped3A : memref<!tpu.dma_semaphore, #tpu.memory_space<semaphore_mem>>)
        %dma_wait3A = arith.constant 0 : i32
        %dma_wait3A_459 = tpu.memref_slice %arg4[%mul3A_434, %dma_wait3A] : memref<10240x144xf32, #tpu.memory_space<hbm>> -> memref<640x144xf32, #tpu.memory_space<hbm>>
        %dma_wait3A_460 = arith.constant 0 : i32
        %dma_wait3A_461 = tpu.memref_slice %arg5[%mul3A_434, %dma_wait3A_460] : memref<10240x144xf32, #tpu.memory_space<vmem_shared>> -> memref<640x144xf32, #tpu.memory_space<vmem_shared>>
        tpu.wait_dma2 semaphore(%run_scoped3A : memref<!tpu.dma_semaphore, #tpu.memory_space<semaphore_mem>>) src(%dma_wait3A_461 : memref<640x144xf32, #tpu.memory_space<vmem_shared>>) dst(%dma_wait3A_459 : memref<640x144xf32, #tpu.memory_space<hbm>>)
        tpu.yield
      }) : () -> ()
    } else {
    }
    return
  }
}

module attributes {stable_mosaic.version = 14 : i64} {
  func.func @_combine_body(%arg0: memref<10240x144xf32, #tpu.memory_space<vmem>>, %arg1: memref<10000x128xf32, #tpu.memory_space<vmem>>) attributes {dimension_semantics = [], scalar_prefetch = 0 : i64, scratch_operands = 0 : i64, tpu.core_type = #tpu.core_type<tc>} {
    %get3A = arith.constant 0 : index
    %get3A_0 = arith.constant 0 : index
    %get3A_1 = vector.load %arg0[%get3A, %get3A_0] : memref<10240x144xf32, #tpu.memory_space<vmem>>, vector<10000x144xf32>
    %slice3A = vector.extract_strided_slice %get3A_1 {offsets = [0, 0], sizes = [10000, 128], strides = [1, 1]} : vector<10000x144xf32> to vector<10000x128xf32>
    %slice3A_2 = vector.extract_strided_slice %get3A_1 {offsets = [0, 128], sizes = [10000, 1], strides = [1, 1]} : vector<10000x144xf32> to vector<10000x1xf32>
    %max3A = arith.constant 1.000000e+00 : f32
    %max3A_3 = vector.broadcast %max3A : f32 to vector<10000x1xf32>
    %max3A_4 = arith.maximumf %slice3A_2, %max3A_3 : vector<10000x1xf32>
    %div3A = vector.broadcast %max3A_4 : vector<10000x1xf32> to vector<10000x128xf32>
    %div3A_5 = arith.divf %slice3A, %div3A : vector<10000x128xf32>
    %swap3A = arith.constant 0 : index
    %swap3A_6 = arith.constant 0 : index
    %swap3A_7 = vector.load %arg1[%swap3A, %swap3A_6] : memref<10000x128xf32, #tpu.memory_space<vmem>>, vector<10000x128xf32>
    tpu.vector_store %arg1[%swap3A, %swap3A_6], %div3A_5 {strides = array<i32>} : memref<10000x128xf32, #tpu.memory_space<vmem>>, vector<10000x128xf32>,
    return
  }
}

</mosaic_0001>

<sc_bundles>
// kernel: kernel.4.cloned.1.call-start
scs
__scs_entry_jumppad:
0x0: {  	(pc) =	sbr.rel $0x88, $3  }
0x1: {  	(tag) =	ssettag $0x0;
	lr =	simm.s32 $0x1  }
0x2: {  	[smem:$0x3F9F] =	sst lr;
	_ =	strace $0xD0000000  }
0x3: {  	_ = 	snop  }
0x4: {  	_ = 	snop  }
0x5: {  	_ = 	snop  }
0x6: {  	_ = 	snop  }
0x7: {  	_ = 	snop  }
__scs_overlays_trampoline_lowered:
0x8: {  	[smem:$0x3FAE] =	sst s0  }
0x9: {  	[smem:$0x3FAF] =	sst s1  }
0xa: {  	[smem:$0x3FB0] =	sst s2  }
0xb: {  	[smem:$0x3FB1] =	sst s3  }
0xc: {  	[smem:$0x3FB2] =	sst s4  }
0xd: {  	[smem:$0x3FB3] =	sst s5  }
0xe: {  	[smem:$0x3FB4] =	sst s6  }
0xf: {  	[smem:$0x3FB5] =	sst s7  }
0x10: {  	[smem:$0x3FB6] =	sst s8  }
0x11: {  	[smem:$0x3FB7] =	sst s9;
	s0 =	simm.s32 @!p0 $0x0  }
0x12: {  	s1 =	sld [smem:$0x3F9D];
	s0 =	simm.s32 @p0 $0x1  }
0x13: {  	[smem:$0x3FB8] =	sst s0;
	s0 =	simm.s32 @!p1 $0x0  }
0x14: {  	s2 =	sld [smem:$0x3F9C];
	s0 =	simm.s32 @p1 $0x1  }
0x15: {  	[smem:$0x3FB9] =	sst s0;
	s0 =	simm.s32 @!p2 $0x0  }
0x16: {  	s3 =	sld [smem:$0x3FDB];
	s0 =	simm.s32 @p2 $0x1  }
0x17: {  	s4 =	simm.s32 $0x1BF5;
	[smem:$0x3FBB] =	sst s0  }
0x18: {  	s0 =	sld [smem:$0x3F9E];
	_ =	swait.ge [sflag:s4], $0x0  }
0x19: {  	s7 =	sld [smem:$0x3F9F]  }
0x1a: {  	s8 =	sadd.s32 $0xFFFFE003, lr  }
0x1b: {  	s9 =	sadd.s32 $0xFFFFFEF7, lr;
	s5 =	simm.s32 $0xFFFFFFFF;
	p2 =	slt.u32 s8, $0xFFFFF086  }
0x1c: {  	p1 =	slt.u32 s9, $0xF7A;
	s5 =	simm.s32 @!p2 $0x0  }
0x1d: {  	s5 =	simm.s32 @p1 $0x1;
	p0 =	seq.s32 s7, s2  }
0x1e: {  	s7 =	smul.u32 @!p0 $0xF7A, s2;
	p2 =	seq.s32 @!p0 s5, $0x0  }
0x1f: {  	s9 =	smul.u32 $0xF7A, s1;
	s8 =	simm.s32 @!p0 $0x1BF5;
	p2 =	por !p2, p0  }
0x20: {  	[sflag:s8] =	ssyncset.s32 @!p0 $0xFFFFF086;
	s6 =	sadd.s32 @!p0 s3, s7;
	s7 =	simm.s32 @!p0 $0x108  }
0x21: {  	s3 =	sadd.s32 s3, s9;
	s6 =	sadd.s32 @!p0 $0x88, s6;
	s7 =	simm.s32 @p2 $0x1082  }
0x22: {  	[simem:s7], [sflag:s8] =	dma.local @!p0 [hbm:s6], $0xF7A  }
0x23: {  	s9 =	sor.u32 $0xD0000000, s2;
	s6 =	simm.s32 $0x108;
	_ =	swait.ge @!p0 [sflag:s8], $0x0  }
0x24: {  	s3 =	sadd.s32 $0x88, s3;
	s6 =	simm.s32 @!p1 $0x1082;
	[sflag:s4] =	ssyncset.s32 $0xFFFFF086  }
0x25: {  	[simem:s6], [sflag:s4] =	dma.local [hbm:s3], $0xF7A  }
0x26: {  	[smem:$0x3F9F] =	sst s1;
	(tag) =	ssettag s2;
	_ =	strace s9  }
0x27: {  	s1 =	sld [smem:$0x3FAF]  }
0x28: {  	s2 =	sld [smem:$0x3FB0]  }
0x29: {  	s4 =	sld [smem:$0x3FB2]  }
0x2a: {  	p0 =	seq.s32 s5, $0x0;
	s5 =	sld [smem:$0x3FB3]  }
0x2b: {  	s6 =	sld [smem:$0x3FB4]  }
0x2c: {  	s7 =	sld [smem:$0x3FB5]  }
0x2d: {  	s3 =	simm.s32 $0x108;
	s8 =	sld [smem:$0x3FB6]  }
0x2e: {  	s3 =	simm.s32 @!p0 $0x1082;
	s9 =	sld [smem:$0x3FB7]  }
0x2f: {  	lr =	sadd.s32 s0, s3;
	s0 =	sld [smem:$0x3FAE]  }
0x30: {  	s3 =	sld [smem:$0x3FB1]  }
0x31: {  	[smem:$0x3FBA] =	sst s10  }
0x32: {  	s10 =	sld [smem:$0x3FB8];
	_ =	sdelay $0x3  }
0x33: {  	p0 =	seq.s32 s10, $0x1;
	s10 =	sld [smem:$0x3FBA];
	_ =	sdelay $0x3  }
0x34: {  	[smem:$0x3FBA] =	sst s10  }
0x35: {  	s10 =	sld [smem:$0x3FB9];
	_ =	sdelay $0x3  }
0x36: {  	p1 =	seq.s32 s10, $0x1;
	s10 =	sld [smem:$0x3FBA];
	_ =	sdelay $0x3  }
0x37: {  	[smem:$0x3FBA] =	sst s10  }
0x38: {  	s10 =	sld [smem:$0x3FBB]  }
0x39: {  	_ = 	snop;
	(pc) =	sbr.ind lr, $3  }
0x3a: {  	_ = 	snop  }
0x3b: {  	_ = 	snop  }
0x3c: {  	p2 =	seq.s32 s10, $0x1;
	s10 =	sld [smem:$0x3FBA]  }
0x3d: {  	_ =	shalt  }
0x3e: {  	_ =	shalt  }
0x3f: {  	_ =	shalt  }
0x40: {  	_ =	shalt  }
0x41: {  	_ =	shalt  }
0x42: {  	_ =	shalt  }
0x43: {  	_ =	shalt  }
0x44: {  	_ =	shalt  }
0x45: {  	_ =	shalt  }
0x46: {  	_ =	shalt  }
0x47: {  	_ =	shalt  }
0x48: {  	_ =	shalt  }
0x49: {  	_ =	shalt  }
0x4a: {  	_ =	shalt  }
0x4b: {  	_ =	shalt  }
0x4c: {  	_ =	shalt  }
0x4d: {  	_ =	shalt  }
0x4e: {  	_ =	shalt  }
0x4f: {  	_ =	shalt  }
0x50: {  	_ =	shalt  }
0x51: {  	_ =	shalt  }
0x52: {  	_ =	shalt  }
0x53: {  	_ =	shalt  }
0x54: {  	_ =	shalt  }
0x55: {  	_ =	shalt  }
0x56: {  	_ =	shalt  }
0x57: {  	_ =	shalt  }
0x58: {  	_ =	shalt  }
0x59: {  	_ =	shalt  }
0x5a: {  	_ =	shalt  }
0x5b: {  	_ =	shalt  }
0x5c: {  	_ =	shalt  }
0x5d: {  	_ =	shalt  }
0x5e: {  	_ =	shalt  }
0x5f: {  	_ =	shalt  }
0x60: {  	_ =	shalt  }
0x61: {  	_ =	shalt  }
0x62: {  	_ =	shalt  }
0x63: {  	_ =	shalt  }
0x64: {  	_ =	shalt  }
0x65: {  	_ =	shalt  }
0x66: {  	_ =	shalt  }
0x67: {  	_ =	shalt  }
0x68: {  	_ =	shalt  }
0x69: {  	_ =	shalt  }
0x6a: {  	_ =	shalt  }
0x6b: {  	_ =	shalt  }
0x6c: {  	_ =	shalt  }
0x6d: {  	_ =	shalt  }
0x6e: {  	_ =	shalt  }
0x6f: {  	_ =	shalt  }
0x70: {  	_ =	shalt  }
0x71: {  	_ =	shalt  }
0x72: {  	_ =	shalt  }
0x73: {  	_ =	shalt  }
0x74: {  	_ =	shalt  }
0x75: {  	_ =	shalt  }
0x76: {  	_ =	shalt  }
0x77: {  	_ =	shalt  }
0x78: {  	_ =	shalt  }
0x79: {  	_ =	shalt  }
0x7a: {  	_ =	shalt  }
0x7b: {  	_ =	shalt  }
0x7c: {  	_ =	shalt  }
0x7d: {  	_ =	shalt  }
0x7e: {  	_ =	shalt  }
0x7f: {  	_ =	shalt  }
0x80: {  	_ =	shalt  }
0x81: {  	_ =	shalt  }
0x82: {  	_ =	shalt  }
0x83: {  	_ =	shalt  }
0x84: {  	_ =	shalt  }
0x85: {  	_ =	shalt  }
0x86: {  	_ =	shalt  }
0x87: {  	_ =	shalt  }
.Lfunc_end0:
.L_simem_size_0:
called_computation_lowered:
.L_overlay_start_0:
0x88: {  	s2 =	sld [smem:$0x3FD9]  }
0x89: {  	s3 =	sld [smem:$0x3FFE];
	_ =	sdelay $0x1  }
0x8a: {  	s1 =	srdreg.scid  }
0x8b: {  	s0 =	sand.u32 $0x1, s1  }
0x8c: {  	s17 =	sshll.u32 s0, $0xA;
	s2 =	sadd.s32 s3, s2  }
0x8d: {  	s2 =	sadd.s32 s2, s17  }
0x8e: {  	[smem:$0x3FC6] =	sst s2  }
0x8f: {  	_ = 	snop  }
0x90: {  	s2 =	sld [smem:$0x3FD0];
	(tm) =	ssettm $0x1  }
0x91: {  	s18 =	sld [smem:$0x3FFB];
	_ =	sdelay $0x3  }
0x92: {  	_ =	strace s18  }
0x93: {  	s3 =	sld [smem:$0x3FFC];
	_ =	sdelay $0x3  }
0x94: {  	_ =	strace s3  }
0x95: {  	s3 =	sld [smem:$0x3FFD];
	_ =	sdelay $0x3  }
0x96: {  	_ =	strace s3  }
0x97: {  	_ =	strace $0x8FFFFFFF  }
0x98: {  	s19 =	sld [smem:$0x3FDB];
	_ =	sdelay $0x1  }
0x99: {  	s4 =	simm.s32 $_scs_section_size  }
0x9a: {  	s5 =	simm.s32 $_size__tile_overlayer_lowered;
	s6 =	simm.s32 $_tile_overlayer_lowered  }
0x9b: {  	s22 =	simm.s32 $0x1BFF;
	s21 =	sshll.u32 s6, $0x1;
	s3 =	sadd.s32 s4, s19  }
0x9c: {  	s7 =	simm.s32 $0x0;
	s20 =	sshll.u32 s5, $0x1;
	s5 =	sadd.s32 s21, s3  }
0x9d: {  	[timem:s7], [sflag:s22] =	dma.local [hbm:s5], s20  }
0x9e: {  	_ =	swait.ge [sflag:s22], s20  }
0x9f: {  	s4 =	ssub.s32 $0x0, s20;
	[sflag:s22] =	ssyncset.done $0x0  }
0xa0: {  	[sflag:s22] =	ssyncadd.s32 s4;
	_ =	sdelay $0x1  }
0xa1: {  	s23 =	simm.s32 $0x1B8B  }
0xa2: {  	_ =	swait.ge [sflag:s23], $0x1  }
0xa3: {  	[sflag:s23] =	ssyncset.done $0x0  }
0xa4: {  	s25 =	simm.s32 $0x1B8E;
	s24 =	sld [smem:$0x3FFE];
	[sflag:s23] =	ssyncadd.s32 $0xFFFFFFFF  }
0xa5: {  	s26 =	simm.s32 $execute0_lowered;
	[smem:$0x3FD2] =	sst s25  }
0xa6: {  	s5 =	sshll.u32 s26, $0x1;
	_ =	strace $0x80000046;
	[dreg:$0x1] =	wrdreg $0xFFFFFFFF  }
0xa7: {  	s28 =	simm.s32 $_size_execute0_lowered;
	s3 =	sadd.s32 s3, s5;
	[dreg:$0x0] =	wrdreg $0x0  }
0xa8: {  	s5 =	sshll.u32 s28, $0x1;
	[dreg:$0x2] =	wrdreg s3  }
0xa9: {  	[dreg:$0x3] =	wrdreg s5  }
0xaa: {  	[dreg:$0x4] =	wrdreg $0xC0  }
0xab: {  	_ =	task [dreg:s7], $0x5FFFF  }
0xac: {  	[dreg:$0x1] =	wrdreg $0xFFFFFFFF  }
0xad: {  	[dreg:$0x0] =	wrdreg $0x60  }
0xae: {  	[dreg:$0x2] =	wrdreg s24  }
0xaf: {  	[dreg:$0x3] =	wrdreg s2  }
0xb0: {  	[dreg:$0x4] =	wrdreg $0x0  }
0xb1: {  	[dreg:$0x5] =	wrdreg $0x9  }
0xb2: {  	_ =	task.clear_ibuf [dreg:s7], $0x6FFFF;
	_ =	strace $0x90000046  }
0xb3: {  	s29 =	simm.s32 $0x9;
	_ =	strace $0x80000048  }
0xb4: {  	_ =	swait.ge [sflag:s29], $0x1  }
0xb5: {  	[sflag:s29] =	ssyncadd.s32 $0xFFFFFFFF  }
0xb6: {  	_ =	strace $0x90000048  }
0xb7: {  	_ =	sfence  }
0xb8: {  	s30 =	sld [smem:$0x0];
	_ =	sdelay $0x2  }
0xb9: {  	s31 =	sshll.u32 s1, $0xD;
	s1 =	sshrl.u32 s1, $0x2  }
0xba: {  	s3 =	sand.u32 $0x4000, s31;
	s1 =	sadd.s32 s1, s30  }
0xbb: {  	s0 =	sor.u32 s3, s0;
	s1 =	sshll.u32 s1, $0x11  }
0xbc: {  	s0 =	sor.u32 s1, s0  }
0xbd: {  	s0 =	sadd.s32 $0x8F2B, s0  }
0xbe: {  	[sflag:s0] =	ssyncadd.remote.s32 $0x1  }
0xbf: {  	_ =	sfence.sel $0xFFFF  }
0xc0: {  	[dreg:$0x0] =	wrdreg $0xFFFFFFFF;
	(pc) =	sbr.abs _section_cstart, $3  }
0xc1: {  	[dreg:$0x1] =	wrdreg $0xFFFFFFFF  }
0xc2: {  	_ =	task.clear_ibuf [dreg:s7], $0x2FFFF;
	_ =	strace $0x9FFFFFFF  }
0xc3: {  	(tm) =	ssettm $0x7FFFFFFF  }
tec
execute0_lowered:
.L_overlay_start_1:
0x0: {  	(tag) =	ssettag $0x1  }
0x1: {  	s1 =	srdreg.scid  }
0x2: {  	s1 =	sand.u32 $0x1, s1  }
0x3: {  	p0 =	seq.s32 s1, $0x1  }
.Ltmp0:
0x4: {  	s3 =	rddreg [dreg:$0x0];
	(pc) =	sbr.rel @p0 .LBB2_6-.Ltmp0, $4  }
0x5: {  	s7 =	rddreg [dreg:$0x1]  }
0x6: {  	s2 =	rddreg [dreg:$0x2];
	s4 =	simm.s32 $0x0  }
0x7: {  	[smem:$0x7FF] =	sst s4  }
0x8: {  	s0 =	rddreg [dreg:$0x3];
	_ =	strace $0x80000047;
	s1 =	stileid.u32  }
0x9: {  	v0 =	vimm.f32 $0.0e+00  }
0xa: {  	[tilespmem:$0x1FA00] =	vst v0  }
0xb: {  	[tilespmem:$0x1FA10] =	vst v0  }
0xc: {  	[tilespmem:$0x1FA20] =	vst v0  }
0xd: {  	[tilespmem:$0x1FA30] =	vst v0  }
0xe: {  	[tilespmem:$0x1FA40] =	vst v0  }
0xf: {  	[tilespmem:$0x1FA50] =	vst v0  }
0x10: {  	[tilespmem:$0x1FA60] =	vst v0  }
0x11: {  	[tilespmem:$0x1FA70] =	vst v0  }
0x12: {  	[tilespmem:$0x1FA80] =	vst v0  }
0x13: {  	[tilespmem:$0x1FA90] =	vst v0  }
0x14: {  	[tilespmem:$0x1FAA0] =	vst v0  }
0x15: {  	[tilespmem:$0x1FAB0] =	vst v0  }
0x16: {  	[tilespmem:$0x1FAC0] =	vst v0  }
0x17: {  	[tilespmem:$0x1FAD0] =	vst v0  }
0x18: {  	[tilespmem:$0x1FAE0] =	vst v0  }
0x19: {  	[tilespmem:$0x1FAF0] =	vst v0  }
0x1a: {  	[tilespmem:$0x1FB00] =	vst v0  }
0x1b: {  	[tilespmem:$0x1FB10] =	vst v0  }
0x1c: {  	[tilespmem:$0x1FB20] =	vst v0  }
0x1d: {  	[tilespmem:$0x1FB30] =	vst v0  }
0x1e: {  	[tilespmem:$0x1FB40] =	vst v0  }
0x1f: {  	[tilespmem:$0x1FB50] =	vst v0  }
0x20: {  	[tilespmem:$0x1FB60] =	vst v0  }
0x21: {  	[tilespmem:$0x1FB70] =	vst v0  }
0x22: {  	[tilespmem:$0x1FB80] =	vst v0  }
0x23: {  	[tilespmem:$0x1FB90] =	vst v0  }
0x24: {  	[tilespmem:$0x1FBA0] =	vst v0  }
0x25: {  	[tilespmem:$0x1FBB0] =	vst v0  }
0x26: {  	[tilespmem:$0x1FBC0] =	vst v0  }
0x27: {  	[tilespmem:$0x1FBD0] =	vst v0  }
0x28: {  	[tilespmem:$0x1FBE0] =	vst v0  }
0x29: {  	[tilespmem:$0x1FBF0] =	vst v0  }
0x2a: {  	[tilespmem:$0x1FC00] =	vst v0  }
0x2b: {  	[tilespmem:$0x1FC10] =	vst v0  }
0x2c: {  	[tilespmem:$0x1FC20] =	vst v0  }
0x2d: {  	[tilespmem:$0x1FC30] =	vst v0  }
0x2e: {  	[tilespmem:$0x1FC40] =	vst v0  }
0x2f: {  	[tilespmem:$0x1FC50] =	vst v0  }
0x30: {  	[tilespmem:$0x1FC60] =	vst v0  }
0x31: {  	[tilespmem:$0x1FC70] =	vst v0  }
0x32: {  	[tilespmem:$0x1FC80] =	vst v0  }
0x33: {  	[tilespmem:$0x1FC90] =	vst v0  }
0x34: {  	[tilespmem:$0x1FCA0] =	vst v0  }
0x35: {  	[tilespmem:$0x1FCB0] =	vst v0  }
0x36: {  	[tilespmem:$0x1FCC0] =	vst v0  }
0x37: {  	[tilespmem:$0x1FCD0] =	vst v0  }
0x38: {  	[tilespmem:$0x1FCE0] =	vst v0  }
0x39: {  	[tilespmem:$0x1FCF0] =	vst v0  }
0x3a: {  	[tilespmem:$0x1FD00] =	vst v0  }
0x3b: {  	[tilespmem:$0x1FD10] =	vst v0  }
0x3c: {  	[tilespmem:$0x1FD20] =	vst v0  }
0x3d: {  	[tilespmem:$0x1FD30] =	vst v0  }
0x3e: {  	[tilespmem:$0x1FD40] =	vst v0  }
0x3f: {  	[tilespmem:$0x1FD50] =	vst v0  }
0x40: {  	[tilespmem:$0x1FD60] =	vst v0  }
0x41: {  	[tilespmem:$0x1FD70] =	vst v0  }
0x42: {  	[tilespmem:$0x1FD80] =	vst v0  }
0x43: {  	[tilespmem:$0x1FD90] =	vst v0  }
0x44: {  	[tilespmem:$0x1FDA0] =	vst v0  }
0x45: {  	[tilespmem:$0x1FDB0] =	vst v0  }
0x46: {  	[tilespmem:$0x1FDC0] =	vst v0  }
0x47: {  	[tilespmem:$0x1FDD0] =	vst v0  }
0x48: {  	[tilespmem:$0x1FDE0] =	vst v0  }
0x49: {  	[tilespmem:$0x1FDF0] =	vst v0  }
0x4a: {  	[tilespmem:$0x1FE00] =	vst v0  }
0x4b: {  	s5 =	smul.u32 $0x16800, s1;
	[tilespmem:$0x1FE10] =	vst v0  }
0x4c: {  	s4 =	smul.u32 $0x5A000, s1;
	[tilespmem:$0x1FE20] =	vst v0  }
0x4d: {  	s13 =	smul.u32 $0x1400, s1;
	[tilespmem:$0x1FE30] =	vst v0  }
0x4e: {  	s11 =	sadd.s32 $0x20, s7;
	s10 =	simm.s32 $0x1FA00;
	s12 =	simm.s32 $0x1200;
	[tilespmem:$0x1FE40] =	vst v0  }
0x4f: {  	[tilespmem:$0x1FE50] =	vst v0;
	s6 =	sshrl.u32 s5, $0x3;
	s4 =	sshrl.u32 s4, $0x2;
	s8 =	sadd.s32 s7, s13  }
0x50: {  	[tilespmem:$0x1FE60] =	vst v0;
	s5 =	sadd.s32 s5, s2;
	s31 =	sadd.s32 s11, s13;
	s9 =	sadd.s32 s4, s2  }
0x51: {  	[tilespmem:$0x1FE70] =	vst v0;
	s11 =	simm.s32 $0x3;
	s6 =	sadd.s32 s6, s3;
	s30 =	sadd.s32 $0x0, s9  }
0x52: {  	[spmem:s30] =	stream.linear.scatter [tilespmem:s10], [sflag:$0x3], $0x480, $0x38;
	[tilespmem:$0x1FE80] =	vst v63  }
0x53: {  	s4 =	sadd.s32 $0x2C000, s6;
	s6 =	sadd.s32 $0x13C0, s31;
	_ =	swait.ge [sflag:s11], $0x480  }
.LBB2_2:
0x54: {  	s14 =	sshra.s32 s12, $0x2;
	[sflag:s11] =	ssyncset.done $0x0;
	p0 =	sne.s32 s12, $0x58E00  }
.Ltmp1:
0x55: {  	s14 =	sadd.s32 s14, s9;
	[sflag:s11] =	ssyncadd.s32 $0xFFFFFB80;
	(pc) =	sbr.rel @p0 .LBB2_2-.Ltmp1, $3  }
0x56: {  	[spmem:s14] =	stream.linear.scatter [tilespmem:s10], [sflag:$0x3], $0x480, $0x38;
	[tilespmem:$0x1FE80] =	vst v63  }
0x57: {  	s12 =	sadd.s32 $0x1200, s12;
	_ =	sdelay $0x1  }
0x58: {  	_ =	swait.ge [sflag:s11], $0x480  }
0x59: {  	[sflag:s11] =	ssyncset.done $0x0  }
0x5a: {  	[sflag:s11] =	ssyncadd.s32 $0xFFFFFB80  }
0x5b: {  	s9 =	simm.s32 $0x16800;
	s11 =	simm.s32 $0x0;
	[bflag:$0x0] =	sbarrier.arrive $0xFFFF  }
0x5c: {  	[tilespmem:s9], [sflag:$0x3] =	stream.linear.gather [hbm4b:s8+s11], $0x100, $0x38;
	[tilespmem:$0x1FE80] =	vst v63  }
0x5d: {  	s8 =	simm.s32 $0x3  }
0x5e: {  	_ =	swait.ge [sflag:s8], $0x100  }
0x5f: {  	s10 =	simm.s32 $0x80;
	s16 =	sadd.s32 s13, s7;
	[sflag:s8] =	ssyncset.done $0x0  }
0x60: {  	s12 =	simm.s32 $0x16A00;
	s15 =	sadd.s32 $0xFFFFEC40, s16;
	[sflag:s8] =	ssyncadd.s32 $0xFFFFFF00  }
0x61: {  	[tilespmem:s12], [sflag:$0x1] =	stream.indirect.gather [hbm4b:s3+s10], $0x90, s9, s10, $0xb8;
	[tilespmem:$0x1FE80] =	vst v63  }
0x62: {  	s13 =	simm.s32 $0x16900;
	s31 =	sadd.s32 $0x13E0, s15  }
0x63: {  	[tilespmem:s13], [sflag:$0x3] =	stream.linear.gather [hbm4b:s31+s11], $0x100, $0x38;
	[tilespmem:$0x1FE80] =	vst v63  }
0x64: {  	_ =	swait.ge [sflag:s8], $0x100  }
0x65: {  	[sflag:s8] =	ssyncset.done $0x0  }
0x66: {  	s7 =	simm.s32 $0x1B200;
	s14 =	simm.s32 $0x1;
	[sflag:s8] =	ssyncadd.s32 $0xFFFFFF00  }
0x67: {  	[tilespmem:s7], [sflag:$0x2] =	stream.indirect.gather [hbm4b:s3+s10], $0x90, s13, s10, $0xb8;
	[tilespmem:$0x1FE80] =	vst v63  }
0x68: {  	_ =	swait.ge [sflag:s14], $0x4800  }
0x69: {  	[sflag:s14] =	ssyncset.done $0x0  }
0x6a: {  	s17 =	simm.s32 $0x16880;
	[sflag:s14] =	ssyncadd.s32 $0xFFFFB800  }
0x6b: {  	[spmem:s2] =	stream.indirect.scatter.add.f32 [tilespmem:s12], [sflag:$0x3], $0x90, s17, s10, $0xb8;
	[tilespmem:$0x1FE80] =	vst v63  }
0x6c: {  	_ =	swait.ge [sflag:s8], $0x4800  }
0x6d: {  	[sflag:s8] =	ssyncset.done $0x0  }
0x6e: {  	s15 =	sadd.s32 $0x1400, s15;
	[sflag:s8] =	ssyncadd.s32 $0xFFFFB800  }
0x6f: {  	[tilespmem:s9], [sflag:$0x3] =	stream.linear.gather [hbm4b:s15+s11], $0x100, $0x38;
	[tilespmem:$0x1FE80] =	vst v63  }
0x70: {  	_ =	swait.ge [sflag:s8], $0x100  }
0x71: {  	[sflag:s8] =	ssyncset.done $0x0  }
0x72: {  	s15 =	simm.s32 $0x2;
	[sflag:s8] =	ssyncadd.s32 $0xFFFFFF00  }
0x73: {  	[tilespmem:s12], [sflag:$0x1] =	stream.indirect.gather [hbm4b:s3+s10], $0x90, s9, s10, $0xb8;
	[tilespmem:$0x1FE80] =	vst v63  }
0x74: {  	_ =	swait.ge [sflag:s15], $0x4800  }
0x75: {  	[sflag:s15] =	ssyncset.done $0x0  }
0x76: {  	s18 =	simm.s32 $0x16980;
	[sflag:s15] =	ssyncadd.s32 $0xFFFFB800  }
0x77: {  	[spmem:s2] =	stream.indirect.scatter.add.f32 [tilespmem:s7], [sflag:$0x3], $0x90, s18, s10, $0xb8;
	[tilespmem:$0x1FE80] =	vst v63  }
0x78: {  	_ =	swait.ge [sflag:s8], $0x4800  }
0x79: {  	s20 =	simm.s32 $0xFFFFECC0;
	s19 =	sadd.s32 $0xFFFFEC80, s16;
	[sflag:s8] =	ssyncset.done $0x0  }
.LBB2_4:
0x7a: {  	s21 =	sadd.s32 $0x13E0, s19  }
0x7b: {  	[sflag:s8] =	ssyncadd.s32 $0xFFFFB800;
	s22 =	smov.u32 s20;
	s23 =	sadd.s32 $0x40, s20  }
0x7c: {  	[tilespmem:s13], [sflag:$0x3] =	stream.linear.gather [hbm4b:s21+s11], $0x100, $0x38;
	[tilespmem:$0x1FE80] =	vst v63  }
0x7d: {  	p0 =	sne.s32 s20, $0xFFFFFFC0;
	_ =	swait.ge [sflag:s8], $0x100  }
0x7e: {  	[sflag:s8] =	ssyncset.done $0x0  }
0x7f: {  	[sflag:s8] =	ssyncadd.s32 $0xFFFFFF00  }
0x80: {  	[tilespmem:s7], [sflag:$0x2] =	stream.indirect.gather [hbm4b:s3+s10], $0x90, s13, s10, $0xb8;
	[tilespmem:$0x1FE80] =	vst v63  }
0x81: {  	_ =	swait.ge [sflag:s14], $0x4800  }
0x82: {  	[sflag:s14] =	ssyncset.done $0x0  }
0x83: {  	[sflag:s14] =	ssyncadd.s32 $0xFFFFB800  }
0x84: {  	[spmem:s2] =	stream.indirect.scatter.add.f32 [tilespmem:s12], [sflag:$0x3], $0x90, s17, s10, $0xb8;
	[tilespmem:$0x1FE80] =	vst v63  }
0x85: {  	_ =	swait.ge [sflag:s8], $0x4800  }
0x86: {  	[sflag:s8] =	ssyncset.done $0x0  }
0x87: {  	s19 =	sadd.s32 $0x1400, s19;
	[sflag:s8] =	ssyncadd.s32 $0xFFFFB800  }
0x88: {  	[tilespmem:s9], [sflag:$0x3] =	stream.linear.gather [hbm4b:s19+s11], $0x100, $0x38;
	[tilespmem:$0x1FE80] =	vst v63  }
0x89: {  	_ =	swait.ge [sflag:s8], $0x100  }
0x8a: {  	[sflag:s8] =	ssyncset.done $0x0  }
0x8b: {  	[sflag:s8] =	ssyncadd.s32 $0xFFFFFF00  }
0x8c: {  	[tilespmem:s12], [sflag:$0x1] =	stream.indirect.gather [hbm4b:s3+s10], $0x90, s9, s10, $0xb8;
	[tilespmem:$0x1FE80] =	vst v63  }
0x8d: {  	_ =	swait.ge [sflag:s15], $0x4800  }
.Ltmp2:
0x8e: {  	[sflag:s15] =	ssyncset.done $0x0;
	(pc) =	sbr.rel @p0 .LBB2_4-.Ltmp2, $4  }
0x8f: {  	[sflag:s15] =	ssyncadd.s32 $0xFFFFB800  }
0x90: {  	[spmem:s2] =	stream.indirect.scatter.add.f32 [tilespmem:s7], [sflag:$0x3], $0x90, s18, s10, $0xb8;
	[tilespmem:$0x1FE80] =	vst v63  }
0x91: {  	_ =	swait.ge [sflag:s8], $0x4800  }
0x92: {  	s20 =	smov.u32 s23;
	s19 =	sadd.s32 s22, s16;
	[sflag:s8] =	ssyncset.done $0x0  }
0x93: {  	s16 =	sadd.s32 $0x13E0, s19;
	[sflag:s8] =	ssyncadd.s32 $0xFFFFB800  }
0x94: {  	[tilespmem:s13], [sflag:$0x3] =	stream.linear.gather [hbm4b:s16+s11], $0x100, $0x38;
	[tilespmem:$0x1FE80] =	vst v63  }
0x95: {  	_ =	swait.ge [sflag:s8], $0x100  }
0x96: {  	[sflag:s8] =	ssyncset.done $0x0  }
0x97: {  	[sflag:s8] =	ssyncadd.s32 $0xFFFFFF00  }
0x98: {  	[tilespmem:s7], [sflag:$0x2] =	stream.indirect.gather [hbm4b:s3+s10], $0x90, s13, s10, $0xb8;
	[tilespmem:$0x1FE80] =	vst v63  }
0x99: {  	_ =	swait.ge [sflag:s14], $0x4800  }
0x9a: {  	[sflag:s14] =	ssyncset.done $0x0  }
0x9b: {  	[sflag:s14] =	ssyncadd.s32 $0xFFFFB800  }
0x9c: {  	[spmem:s2] =	stream.indirect.scatter.add.f32 [tilespmem:s12], [sflag:$0x3], $0x90, s17, s10, $0xb8;
	[tilespmem:$0x1FE80] =	vst v63  }
0x9d: {  	_ =	swait.ge [sflag:s8], $0x4800  }
0x9e: {  	[sflag:s8] =	ssyncset.done $0x0  }
0x9f: {  	s17 =	sadd.s32 $0x1400, s19;
	[sflag:s8] =	ssyncadd.s32 $0xFFFFB800  }
0xa0: {  	[tilespmem:s9], [sflag:$0x3] =	stream.linear.gather [hbm4b:s17+s11], $0x100, $0x38;
	[tilespmem:$0x1FE80] =	vst v63  }
0xa1: {  	_ =	swait.ge [sflag:s8], $0x100  }
0xa2: {  	[sflag:s8] =	ssyncset.done $0x0  }
0xa3: {  	[sflag:s8] =	ssyncadd.s32 $0xFFFFFF00  }
0xa4: {  	[tilespmem:s12], [sflag:$0x1] =	stream.indirect.gather [hbm4b:s3+s10], $0x90, s9, s10, $0xb8;
	[tilespmem:$0x1FE80] =	vst v63  }
0xa5: {  	_ =	swait.ge [sflag:s15], $0x4800  }
0xa6: {  	[sflag:s15] =	ssyncset.done $0x0  }
0xa7: {  	[sflag:s15] =	ssyncadd.s32 $0xFFFFB800  }
0xa8: {  	[spmem:s2] =	stream.indirect.scatter.add.f32 [tilespmem:s7], [sflag:$0x3], $0x90, s18, s10, $0xb8;
	[tilespmem:$0x1FE80] =	vst v63  }
0xa9: {  	_ =	swait.ge [sflag:s8], $0x4800  }
0xaa: {  	s20 =	simm.s32 $0x16900;
	[sflag:s8] =	ssyncset.done $0x0  }
0xab: {  	s21 =	simm.s32 $0x3;
	s19 =	simm.s32 $0x0;
	[sflag:s8] =	ssyncadd.s32 $0xFFFFB800  }
0xac: {  	[tilespmem:s20], [sflag:$0x3] =	stream.linear.gather [hbm4b:s6+s19], $0x100, $0x38;
	[tilespmem:$0x1FE80] =	vst v63  }
0xad: {  	_ =	swait.ge [sflag:s21], $0x100  }
0xae: {  	s22 =	simm.s32 $0x80;
	[sflag:s21] =	ssyncset.done $0x0  }
0xaf: {  	s23 =	simm.s32 $0x1B200;
	s24 =	simm.s32 $0x1;
	[sflag:s21] =	ssyncadd.s32 $0xFFFFFF00  }
0xb0: {  	[tilespmem:s23], [sflag:$0x2] =	stream.indirect.gather [hbm4b:s3+s22], $0x90, s20, s22, $0xb8;
	[tilespmem:$0x1FE80] =	vst v63  }
0xb1: {  	_ =	swait.ge [sflag:s24], $0x4800  }
0xb2: {  	[sflag:s24] =	ssyncset.done $0x0  }
0xb3: {  	s25 =	simm.s32 $0x16880;
	s26 =	simm.s32 $0x16A00;
	[sflag:s24] =	ssyncadd.s32 $0xFFFFB800  }
0xb4: {  	[spmem:s2] =	stream.indirect.scatter.add.f32 [tilespmem:s26], [sflag:$0x3], $0x90, s25, s22, $0xb8;
	[tilespmem:$0x1FE80] =	vst v63  }
0xb5: {  	_ =	swait.ge [sflag:s21], $0x4800  }
0xb6: {  	[sflag:s21] =	ssyncset.done $0x0  }
0xb7: {  	s28 =	simm.s32 $0x2;
	[sflag:s21] =	ssyncadd.s32 $0xFFFFB800  }
0xb8: {  	_ =	swait.ge [sflag:s28], $0x4800  }
0xb9: {  	[sflag:s28] =	ssyncset.done $0x0  }
0xba: {  	s29 =	simm.s32 $0x16980;
	[sflag:s28] =	ssyncadd.s32 $0xFFFFB800  }
0xbb: {  	[spmem:s2] =	stream.indirect.scatter.add.f32 [tilespmem:s23], [sflag:$0x3], $0x90, s29, s22, $0xb8;
	[tilespmem:$0x1FE80] =	vst v63  }
0xbc: {  	_ =	swait.ge [sflag:s21], $0x4800  }
0xbd: {  	[sflag:s21] =	ssyncset.done $0x0  }
0xbe: {  	s30 =	sshll.u32 s1, $0x6;
	[sflag:s21] =	ssyncadd.s32 $0xFFFFB800  }
0xbf: {  	s31 =	sshrl.u32 s5, $0x3;
	s2 =	sor.u32 $0x1C03, s30;
	[bflag:$0x0] =	sbarrier.arrive $0xFFFF  }
0xc0: {  	[hbm:s4], [sflag:s2] =	dma.local [spmem:s31], $0x2D00  }
0xc1: {  	_ =	swait.ge [sflag:s21], $0x2D00  }
0xc2: {  	[sflag:s21] =	ssyncset.done $0x0  }
0xc3: {  	[sflag:s21] =	ssyncadd.s32 $0xFFFFD300  }
.LBB2_6:
0xc4: {  	_ =	sfence.sel $0x180000  }
0xc5: {  	[bflag:$0x0] =	sbarrier.arrive $0xFFFF  }
0xc6: {  	p0 =	sne.s32 s1, $0x0;
	_ =	strace $0x90000047  }
0xc7: {  	s0 =	sadd.s32 @!p0 $0x100000, s0;
	[bflag:$0x2] =	sbarrier.arrive $0xFFFF  }
0xc8: {  	[sflag:s0] =	ssyncadd.tile.s32 @!p0 $0x1;
	_ =	shalt  }
.Lfunc_end2:
_tile_overlayer_lowered:
.L_overlay_start_2:
0xc9: {  	(tag) =	ssettag $0x2  }
0xca: {  	s0 =	rddreg [dreg:$0x0];
	s2 =	stileid.u32  }
0xcb: {  	s1 =	rddreg [dreg:$0x1];
	p0 =	sne.s32 s2, $0x0  }
0xcc: {  	s3 =	rddreg [dreg:$0x2];
	[bflag:$0x3] =	sbarrier.arrive $0xFFFF;
	s2 =	simm.s32 @!p0 $0x1C03  }
0xcd: {  	[timem:s3], [sflag:s2] =	dma.local @!p0 [hbm:s0], s1  }
0xce: {  	s0 =	simm.s32 @!p0 $0x3  }
0xcf: {  	_ =	swait.ge @!p0 [sflag:s0], s1  }
0xd0: {  	s1 =	ssub.s32 @!p0 $0x0, s1;
	[sflag:s0] =	ssyncset.done @!p0 $0x0  }
0xd1: {  	[sflag:s0] =	ssyncadd.s32 @!p0 s1  }
0xd2: {  	[bflag:$0x3] =	sbarrier.arrive $0xFFFF  }
0xd3: {  	_ =	shalt  }

</sc_bundles>
